<compile_context>
chip_gen: v7x
topology: tpu7x:2x2x1
jax: 0.10.2.dev20260603
libtpu: 0.0.44.dev20260713+nightly
codegen_flags: <defaults>
</compile_context>

<pallas_src>
import functools

import jax
import jax.numpy as jnp
from jax import lax
from jax.experimental import pallas as pl
from jax.experimental.pallas import tpu as pltpu
from jax.experimental.pallas import tpu_sc as plsc

H = 512
W = 512
N = 20000
NC = 2
NS = 16
L = 16
NW = NC * NS
ROWS = H // NW
SLAB = ROWS * W
CHUNKS = N // L
CAP = 1024

_mesh = plsc.VectorSubcoreMesh(core_axis_name="c", subcore_axis_name="s")


@functools.partial(
    pl.kernel,
    out_type=(
        jax.ShapeDtypeStruct((H * W,), jnp.float32),
        jax.ShapeDtypeStruct((2 * H * W,), jnp.float32),
    ),
    mesh=_mesh,
    scratch_types=[
        pltpu.VMEM_SHARED((4 * N,), jnp.float32),
        pltpu.VMEM((4 * N,), jnp.float32),
        pltpu.VMEM((CHUNKS * L,), jnp.int32),
        pltpu.VMEM((CAP,), jnp.int32),
        pltpu.VMEM((SLAB,), jnp.float32),
        pltpu.VMEM((2 * SLAB,), jnp.float32),
        pltpu.SemaphoreType.DMA,
    ],
    compiler_params=pltpu.CompilerParams(needs_layout_passes=False),
)
def _heatmap_sc(boxes_t_hbm, heat_hbm, size_hbm, bx_sh, bx, slots, idxl,
                heat, size, sem):
    sid = lax.axis_index("s")
    wid = sid * NC + lax.axis_index("c")
    r0 = wid * ROWS
    base = r0 * W

    cp = pltpu.make_async_copy(boxes_t_hbm, bx_sh, sem)

    @pl.when(sid == 0)
    def _():
        cp.start()

    z = jnp.zeros((L,), jnp.float32)
    zi = jnp.zeros((L,), jnp.int32)

    ZU = 8

    def zero_body(j, carry):
        for k in range(ZU):
            c = (j * ZU + k) * L
            heat[pl.ds(c, L)] = z
            size[pl.ds(c, L)] = z
            size[pl.ds(SLAB + c, L)] = z
        return carry

    lax.fori_loop(0, SLAB // L // ZU, zero_body, 0)

    def zero_idx_body(j, carry):
        for k in range(ZU):
            idxl[pl.ds((j * ZU + k) * L, L)] = zi
        return carry

    lax.fori_loop(0, CAP // L // ZU, zero_idx_body, 0)

    def zero_slot_body(j, carry):
        for k in range(ZU):
            slots[pl.ds((j * ZU + k) * L, L)] = zi
        return carry

    lax.fori_loop(0, CHUNKS // ZU, zero_slot_body, 0)

    @pl.when(sid == 0)
    def _():
        cp.wait()

    plsc.subcore_barrier()
    pltpu.sync_copy(bx_sh, bx)

    iota = lax.broadcasted_iota(jnp.int32, (L,), 0)
    iota1 = iota + 1

    SU = 10

    def scan_body(i, carry):
        for k in range(SU):
            b = (i * SU + k) * L
            ys = bx[pl.ds(N + b, L)]
            cy = (ys * H).astype(jnp.int32)
            t = cy - r0
            m = t.astype(jnp.uint32) < ROWS
            plsc.store_compressed(slots.at[pl.ds(b, L)], iota1 + b, mask=m)
        return carry

    lax.fori_loop(0, CHUNKS // SU, scan_body, 0)

    CU = 10

    def compact_body(i, pos):
        for k in range(CU):
            vals = slots[pl.ds((i * CU + k) * L, L)]
            cnt = plsc.all_reduce_population_count(vals > 0)
            ms = (iota < cnt) & ((pos + iota).astype(jnp.uint32) < CAP)
            plsc.store_scatter(idxl, [pos + iota], vals - 1, mask=ms)
            pos = pos + cnt
        return pos

    pos = lax.fori_loop(0, CHUNKS // CU, compact_body,
                        jnp.zeros((L,), jnp.int32))

    ones = jnp.ones((L,), jnp.float32)

    EU = 8

    def emit_body(i, carry):
        for k in range(EU):
            j = i * EU + k
            m = (j * L + iota) < pos
            jl = idxl[pl.ds(j * L, L)]
            xs = plsc.load_gather(bx, [jl], mask=m)
            ys = plsc.load_gather(bx, [jl + N], mask=m)
            ws = plsc.load_gather(bx, [jl + 2 * N], mask=m)
            hs = plsc.load_gather(bx, [jl + 3 * N], mask=m)
            cx = (xs * W).astype(jnp.int32)
            cy = (ys * H).astype(jnp.int32)
            off = cy * W + cx - base
            plsc.store_scatter(heat, [off], ones, mask=m)
            plsc.store_scatter(size, [off], ws, mask=m)
            plsc.store_scatter(size, [off + SLAB], hs, mask=m)
        return carry

    lax.fori_loop(0, CAP // L // EU, emit_body, 0)

    pltpu.sync_copy(heat, heat_hbm.at[pl.ds(base, SLAB)])
    pltpu.sync_copy(size.at[pl.ds(0, SLAB)], size_hbm.at[pl.ds(base, SLAB)])
    pltpu.sync_copy(
        size.at[pl.ds(SLAB, SLAB)], size_hbm.at[pl.ds(H * W + base, SLAB)]
    )


def kernel(boxes):
    boxes_t = boxes.T.reshape(-1)
    heat, size = _heatmap_sc(boxes_t)
    return heat.reshape(1, 1, H, W), size.reshape(1, 2, H, W)

# --- scband reference (transcript-rebuilt; emitter-appended) ---
"""Pipeline reference for scband-hard-heat-map-25546465477156 (READ-ONLY COPY).

The authoritative reference and input builder live on the scoring server;
editing this copy changes nothing except your own understanding.
"""

import jax, jax.numpy as jnp
import numpy as np

W = 512
H = 512


def setup_inputs(seed: int = 0) -> dict:
    key = jax.random.key(seed)
    boxes = jax.random.uniform(key, (20000, 4), dtype=jnp.float32)
    return {"boxes": boxes}


def reference(boxes):
    # cx, cy index computation (truncation toward zero like torch .long())
    cx = (boxes[:, 0] * W).astype(jnp.int64)
    cy = (boxes[:, 1] * H).astype(jnp.int64)
    heatmap = jnp.zeros((H, W), dtype=jnp.float32)
    sizemap = jnp.zeros((2, H, W), dtype=jnp.float32)
    # scatter-overwrite
    heatmap = heatmap.at[cy, cx].set(1.0)
    vals = jnp.transpose(boxes[:, 2:4], (1, 0))  # (2, N)
    sizemap = sizemap.at[:, cy, cx].set(vals)
    heatmap = heatmap[None, None, :, :]   # (1, 1, H, W)
    sizemap = sizemap[None, :, :, :]      # (1, 2, H, W)
    return (heatmap, sizemap)

if __name__ == "__main__":
    import jax
    _d = setup_inputs()
    print(jax.jit(kernel)(*tuple(_d.values())))

</pallas_src>

<mosaic_0001>
#map = affine_map<(d0, d1) -> (0)>
module attributes {stable_mosaic.version = 14 : i64} {
  func.func @_heatmap_sc(%arg0: i32, %arg1: i32, %arg2: memref<80000xf32, #tpu.memory_space<hbm>>, %arg3: memref<262144xf32, #tpu.memory_space<hbm>>, %arg4: memref<524288xf32, #tpu.memory_space<hbm>>, %arg5: memref<80000xf32, #tpu.memory_space<vmem_shared>>, %arg6: memref<80000xf32, #tpu.memory_space<vmem>>, %arg7: memref<20000xi32, #tpu.memory_space<vmem>>, %arg8: memref<1024xi32, #tpu.memory_space<vmem>>, %arg9: memref<8192xf32, #tpu.memory_space<vmem>>, %arg10: memref<16384xf32, #tpu.memory_space<vmem>>, %arg11: memref<!tpu.dma_semaphore, #tpu.memory_space<semaphore_mem>>) attributes {dimension_semantics = [#tpu.dimension_semantics<core_parallel>, #tpu.dimension_semantics<subcore_parallel>], iteration_bounds = array<i64: 2, 16>, scalar_prefetch = 0 : i64, scratch_operands = 7 : i64, tpu.core_type = #tpu.core_type<sc_vector_subcore>, window_params = [{transform_indices = #map}, {transform_indices = #map}, {transform_indices = #map}]} {
    %mul3A = arith.constant 2 : i32
    %mul3A_0 = arith.muli %arg1, %mul3A : i32
    %add3A = arith.addi %mul3A_0, %arg0 : i32
    %mul3A_1 = arith.constant 16 : i32
    %mul3A_2 = arith.muli %add3A, %mul3A_1 : i32
    %mul3A_3 = arith.constant 512 : i32
    %mul3A_4 = arith.muli %mul3A_2, %mul3A_3 : i32
    %eq3A = arith.constant 0 : i32
    %eq3A_5 = arith.cmpi eq, %arg1, %eq3A : i32
    %convert_element_type3A = arith.extui %eq3A_5 : i1 to i32
    %cond3A = arith.constant 0 : i32
    %cond3A_6 = arith.cmpi ne, %convert_element_type3A, %cond3A : i32
    scf.if %cond3A_6 {
      tpu.enqueue_dma source(%arg2 : memref<80000xf32, #tpu.memory_space<hbm>>) target(%arg5 : memref<80000xf32, #tpu.memory_space<vmem_shared>>) target_semaphore(%arg11 : memref<!tpu.dma_semaphore, #tpu.memory_space<semaphore_mem>>)
    } else {
    }
    %broadcast_in_dim3A = arith.constant 0.000000e+00 : f32
    %broadcast_in_dim3A_7 = vector.broadcast %broadcast_in_dim3A : f32 to vector<16xf32>
    %broadcast_in_dim3A_8 = arith.constant 0 : i32
    %broadcast_in_dim3A_9 = vector.broadcast %broadcast_in_dim3A_8 : i32 to vector<16xi32>
    %scan3A = arith.constant 0 : i32
    %scan3A_10 = arith.constant 0 : i32
    %scan3A_11 = arith.constant 64 : i32
    %scan3A_12 = arith.addi %scan3A_10, %scan3A_11 : i32
    %scan3A_13 = arith.constant 1 : i32
    scf.for %scan3A_59 = %scan3A_10 to %scan3A_12 step %scan3A_13  : i32 {
      %mul3A_60 = arith.constant 8 : i32
      %mul3A_61 = arith.muli %scan3A_59, %mul3A_60 : i32
      %add3A_62 = arith.constant 0 : i32
      %add3A_63 = arith.addi %mul3A_61, %add3A_62 : i32
      %mul3A_64 = arith.constant 16 : i32
      %mul3A_65 = arith.muli %add3A_63, %mul3A_64 : i32
      %swap3A = arith.index_cast %mul3A_65 : i32 to index
      %swap3A_66 = tpu.vector_load %arg9[%swap3A] {strides = array<i32>} : memref<8192xf32, #tpu.memory_space<vmem>>, vector<16xf32>,
      tpu.vector_store %arg9[%swap3A], %broadcast_in_dim3A_7 {strides = array<i32>} : memref<8192xf32, #tpu.memory_space<vmem>>, vector<16xf32>,
      %swap3A_67 = arith.index_cast %mul3A_65 : i32 to index
      %swap3A_68 = tpu.vector_load %arg10[%swap3A_67] {strides = array<i32>} : memref<16384xf32, #tpu.memory_space<vmem>>, vector<16xf32>,
      tpu.vector_store %arg10[%swap3A_67], %broadcast_in_dim3A_7 {strides = array<i32>} : memref<16384xf32, #tpu.memory_space<vmem>>, vector<16xf32>,
      %add3A_69 = arith.constant 8192 : i32
      %add3A_70 = arith.addi %add3A_69, %mul3A_65 : i32
      %swap3A_71 = arith.index_cast %add3A_70 : i32 to index
      %swap3A_72 = tpu.vector_load %arg10[%swap3A_71] {strides = array<i32>} : memref<16384xf32, #tpu.memory_space<vmem>>, vector<16xf32>,
      tpu.vector_store %arg10[%swap3A_71], %broadcast_in_dim3A_7 {strides = array<i32>} : memref<16384xf32, #tpu.memory_space<vmem>>, vector<16xf32>,
      %mul3A_73 = arith.constant 8 : i32
      %mul3A_74 = arith.muli %scan3A_59, %mul3A_73 : i32
      %add3A_75 = arith.constant 1 : i32
      %add3A_76 = arith.addi %mul3A_74, %add3A_75 : i32
      %mul3A_77 = arith.constant 16 : i32
      %mul3A_78 = arith.muli %add3A_76, %mul3A_77 : i32
      %swap3A_79 = arith.index_cast %mul3A_78 : i32 to index
      %swap3A_80 = tpu.vector_load %arg9[%swap3A_79] {strides = array<i32>} : memref<8192xf32, #tpu.memory_space<vmem>>, vector<16xf32>,
      tpu.vector_store %arg9[%swap3A_79], %broadcast_in_dim3A_7 {strides = array<i32>} : memref<8192xf32, #tpu.memory_space<vmem>>, vector<16xf32>,
      %swap3A_81 = arith.index_cast %mul3A_78 : i32 to index
      %swap3A_82 = tpu.vector_load %arg10[%swap3A_81] {strides = array<i32>} : memref<16384xf32, #tpu.memory_space<vmem>>, vector<16xf32>,
      tpu.vector_store %arg10[%swap3A_81], %broadcast_in_dim3A_7 {strides = array<i32>} : memref<16384xf32, #tpu.memory_space<vmem>>, vector<16xf32>,
      %add3A_83 = arith.constant 8192 : i32
      %add3A_84 = arith.addi %add3A_83, %mul3A_78 : i32
      %swap3A_85 = arith.index_cast %add3A_84 : i32 to index
      %swap3A_86 = tpu.vector_load %arg10[%swap3A_85] {strides = array<i32>} : memref<16384xf32, #tpu.memory_space<vmem>>, vector<16xf32>,
      tpu.vector_store %arg10[%swap3A_85], %broadcast_in_dim3A_7 {strides = array<i32>} : memref<16384xf32, #tpu.memory_space<vmem>>, vector<16xf32>,
      %mul3A_87 = arith.constant 8 : i32
      %mul3A_88 = arith.muli %scan3A_59, %mul3A_87 : i32
      %add3A_89 = arith.constant 2 : i32
      %add3A_90 = arith.addi %mul3A_88, %add3A_89 : i32
      %mul3A_91 = arith.constant 16 : i32
      %mul3A_92 = arith.muli %add3A_90, %mul3A_91 : i32
      %swap3A_93 = arith.index_cast %mul3A_92 : i32 to index
      %swap3A_94 = tpu.vector_load %arg9[%swap3A_93] {strides = array<i32>} : memref<8192xf32, #tpu.memory_space<vmem>>, vector<16xf32>,
      tpu.vector_store %arg9[%swap3A_93], %broadcast_in_dim3A_7 {strides = array<i32>} : memref<8192xf32, #tpu.memory_space<vmem>>, vector<16xf32>,
      %swap3A_95 = arith.index_cast %mul3A_92 : i32 to index
      %swap3A_96 = tpu.vector_load %arg10[%swap3A_95] {strides = array<i32>} : memref<16384xf32, #tpu.memory_space<vmem>>, vector<16xf32>,
      tpu.vector_store %arg10[%swap3A_95], %broadcast_in_dim3A_7 {strides = array<i32>} : memref<16384xf32, #tpu.memory_space<vmem>>, vector<16xf32>,
      %add3A_97 = arith.constant 8192 : i32
      %add3A_98 = arith.addi %add3A_97, %mul3A_92 : i32
      %swap3A_99 = arith.index_cast %add3A_98 : i32 to index
      %swap3A_100 = tpu.vector_load %arg10[%swap3A_99] {strides = array<i32>} : memref<16384xf32, #tpu.memory_space<vmem>>, vector<16xf32>,
      tpu.vector_store %arg10[%swap3A_99], %broadcast_in_dim3A_7 {strides = array<i32>} : memref<16384xf32, #tpu.memory_space<vmem>>, vector<16xf32>,
      %mul3A_101 = arith.constant 8 : i32
      %mul3A_102 = arith.muli %scan3A_59, %mul3A_101 : i32
      %add3A_103 = arith.constant 3 : i32
      %add3A_104 = arith.addi %mul3A_102, %add3A_103 : i32
      %mul3A_105 = arith.constant 16 : i32
      %mul3A_106 = arith.muli %add3A_104, %mul3A_105 : i32
      %swap3A_107 = arith.index_cast %mul3A_106 : i32 to index
      %swap3A_108 = tpu.vector_load %arg9[%swap3A_107] {strides = array<i32>} : memref<8192xf32, #tpu.memory_space<vmem>>, vector<16xf32>,
      tpu.vector_store %arg9[%swap3A_107], %broadcast_in_dim3A_7 {strides = array<i32>} : memref<8192xf32, #tpu.memory_space<vmem>>, vector<16xf32>,
      %swap3A_109 = arith.index_cast %mul3A_106 : i32 to index
      %swap3A_110 = tpu.vector_load %arg10[%swap3A_109] {strides = array<i32>} : memref<16384xf32, #tpu.memory_space<vmem>>, vector<16xf32>,
      tpu.vector_store %arg10[%swap3A_109], %broadcast_in_dim3A_7 {strides = array<i32>} : memref<16384xf32, #tpu.memory_space<vmem>>, vector<16xf32>,
      %add3A_111 = arith.constant 8192 : i32
      %add3A_112 = arith.addi %add3A_111, %mul3A_106 : i32
      %swap3A_113 = arith.index_cast %add3A_112 : i32 to index
      %swap3A_114 = tpu.vector_load %arg10[%swap3A_113] {strides = array<i32>} : memref<16384xf32, #tpu.memory_space<vmem>>, vector<16xf32>,
      tpu.vector_store %arg10[%swap3A_113], %broadcast_in_dim3A_7 {strides = array<i32>} : memref<16384xf32, #tpu.memory_space<vmem>>, vector<16xf32>,
      %mul3A_115 = arith.constant 8 : i32
      %mul3A_116 = arith.muli %scan3A_59, %mul3A_115 : i32
      %add3A_117 = arith.constant 4 : i32
      %add3A_118 = arith.addi %mul3A_116, %add3A_117 : i32
      %mul3A_119 = arith.constant 16 : i32
      %mul3A_120 = arith.muli %add3A_118, %mul3A_119 : i32
      %swap3A_121 = arith.index_cast %mul3A_120 : i32 to index
      %swap3A_122 = tpu.vector_load %arg9[%swap3A_121] {strides = array<i32>} : memref<8192xf32, #tpu.memory_space<vmem>>, vector<16xf32>,
      tpu.vector_store %arg9[%swap3A_121], %broadcast_in_dim3A_7 {strides = array<i32>} : memref<8192xf32, #tpu.memory_space<vmem>>, vector<16xf32>,
      %swap3A_123 = arith.index_cast %mul3A_120 : i32 to index
      %swap3A_124 = tpu.vector_load %arg10[%swap3A_123] {strides = array<i32>} : memref<16384xf32, #tpu.memory_space<vmem>>, vector<16xf32>,
      tpu.vector_store %arg10[%swap3A_123], %broadcast_in_dim3A_7 {strides = array<i32>} : memref<16384xf32, #tpu.memory_space<vmem>>, vector<16xf32>,
      %add3A_125 = arith.constant 8192 : i32
      %add3A_126 = arith.addi %add3A_125, %mul3A_120 : i32
      %swap3A_127 = arith.index_cast %add3A_126 : i32 to index
      %swap3A_128 = tpu.vector_load %arg10[%swap3A_127] {strides = array<i32>} : memref<16384xf32, #tpu.memory_space<vmem>>, vector<16xf32>,
      tpu.vector_store %arg10[%swap3A_127], %broadcast_in_dim3A_7 {strides = array<i32>} : memref<16384xf32, #tpu.memory_space<vmem>>, vector<16xf32>,
      %mul3A_129 = arith.constant 8 : i32
      %mul3A_130 = arith.muli %scan3A_59, %mul3A_129 : i32
      %add3A_131 = arith.constant 5 : i32
      %add3A_132 = arith.addi %mul3A_130, %add3A_131 : i32
      %mul3A_133 = arith.constant 16 : i32
      %mul3A_134 = arith.muli %add3A_132, %mul3A_133 : i32
      %swap3A_135 = arith.index_cast %mul3A_134 : i32 to index
      %swap3A_136 = tpu.vector_load %arg9[%swap3A_135] {strides = array<i32>} : memref<8192xf32, #tpu.memory_space<vmem>>, vector<16xf32>,
      tpu.vector_store %arg9[%swap3A_135], %broadcast_in_dim3A_7 {strides = array<i32>} : memref<8192xf32, #tpu.memory_space<vmem>>, vector<16xf32>,
      %swap3A_137 = arith.index_cast %mul3A_134 : i32 to index
      %swap3A_138 = tpu.vector_load %arg10[%swap3A_137] {strides = array<i32>} : memref<16384xf32, #tpu.memory_space<vmem>>, vector<16xf32>,
      tpu.vector_store %arg10[%swap3A_137], %broadcast_in_dim3A_7 {strides = array<i32>} : memref<16384xf32, #tpu.memory_space<vmem>>, vector<16xf32>,
      %add3A_139 = arith.constant 8192 : i32
      %add3A_140 = arith.addi %add3A_139, %mul3A_134 : i32
      %swap3A_141 = arith.index_cast %add3A_140 : i32 to index
      %swap3A_142 = tpu.vector_load %arg10[%swap3A_141] {strides = array<i32>} : memref<16384xf32, #tpu.memory_space<vmem>>, vector<16xf32>,
      tpu.vector_store %arg10[%swap3A_141], %broadcast_in_dim3A_7 {strides = array<i32>} : memref<16384xf32, #tpu.memory_space<vmem>>, vector<16xf32>,
      %mul3A_143 = arith.constant 8 : i32
      %mul3A_144 = arith.muli %scan3A_59, %mul3A_143 : i32
      %add3A_145 = arith.constant 6 : i32
      %add3A_146 = arith.addi %mul3A_144, %add3A_145 : i32
      %mul3A_147 = arith.constant 16 : i32
      %mul3A_148 = arith.muli %add3A_146, %mul3A_147 : i32
      %swap3A_149 = arith.index_cast %mul3A_148 : i32 to index
      %swap3A_150 = tpu.vector_load %arg9[%swap3A_149] {strides = array<i32>} : memref<8192xf32, #tpu.memory_space<vmem>>, vector<16xf32>,
      tpu.vector_store %arg9[%swap3A_149], %broadcast_in_dim3A_7 {strides = array<i32>} : memref<8192xf32, #tpu.memory_space<vmem>>, vector<16xf32>,
      %swap3A_151 = arith.index_cast %mul3A_148 : i32 to index
      %swap3A_152 = tpu.vector_load %arg10[%swap3A_151] {strides = array<i32>} : memref<16384xf32, #tpu.memory_space<vmem>>, vector<16xf32>,
      tpu.vector_store %arg10[%swap3A_151], %broadcast_in_dim3A_7 {strides = array<i32>} : memref<16384xf32, #tpu.memory_space<vmem>>, vector<16xf32>,
      %add3A_153 = arith.constant 8192 : i32
      %add3A_154 = arith.addi %add3A_153, %mul3A_148 : i32
      %swap3A_155 = arith.index_cast %add3A_154 : i32 to index
      %swap3A_156 = tpu.vector_load %arg10[%swap3A_155] {strides = array<i32>} : memref<16384xf32, #tpu.memory_space<vmem>>, vector<16xf32>,
      tpu.vector_store %arg10[%swap3A_155], %broadcast_in_dim3A_7 {strides = array<i32>} : memref<16384xf32, #tpu.memory_space<vmem>>, vector<16xf32>,
      %mul3A_157 = arith.constant 8 : i32
      %mul3A_158 = arith.muli %scan3A_59, %mul3A_157 : i32
      %add3A_159 = arith.constant 7 : i32
      %add3A_160 = arith.addi %mul3A_158, %add3A_159 : i32
      %mul3A_161 = arith.constant 16 : i32
      %mul3A_162 = arith.muli %add3A_160, %mul3A_161 : i32
      %swap3A_163 = arith.index_cast %mul3A_162 : i32 to index
      %swap3A_164 = tpu.vector_load %arg9[%swap3A_163] {strides = array<i32>} : memref<8192xf32, #tpu.memory_space<vmem>>, vector<16xf32>,
      tpu.vector_store %arg9[%swap3A_163], %broadcast_in_dim3A_7 {strides = array<i32>} : memref<8192xf32, #tpu.memory_space<vmem>>, vector<16xf32>,
      %swap3A_165 = arith.index_cast %mul3A_162 : i32 to index
      %swap3A_166 = tpu.vector_load %arg10[%swap3A_165] {strides = array<i32>} : memref<16384xf32, #tpu.memory_space<vmem>>, vector<16xf32>,
      tpu.vector_store %arg10[%swap3A_165], %broadcast_in_dim3A_7 {strides = array<i32>} : memref<16384xf32, #tpu.memory_space<vmem>>, vector<16xf32>,
      %add3A_167 = arith.constant 8192 : i32
      %add3A_168 = arith.addi %add3A_167, %mul3A_162 : i32
      %swap3A_169 = arith.index_cast %add3A_168 : i32 to index
      %swap3A_170 = tpu.vector_load %arg10[%swap3A_169] {strides = array<i32>} : memref<16384xf32, #tpu.memory_space<vmem>>, vector<16xf32>,
      tpu.vector_store %arg10[%swap3A_169], %broadcast_in_dim3A_7 {strides = array<i32>} : memref<16384xf32, #tpu.memory_space<vmem>>, vector<16xf32>,
    }
    %scan3A_14 = arith.constant 64 : i32
    %scan3A_15 = arith.constant 0 : i32
    %scan3A_16 = arith.constant 0 : i32
    %scan3A_17 = arith.constant 8 : i32
    %scan3A_18 = arith.addi %scan3A_16, %scan3A_17 : i32
    %scan3A_19 = arith.constant 1 : i32
    scf.for %scan3A_59 = %scan3A_16 to %scan3A_18 step %scan3A_19  : i32 {
      %mul3A_60 = arith.constant 8 : i32
      %mul3A_61 = arith.muli %scan3A_59, %mul3A_60 : i32
      %add3A_62 = arith.constant 0 : i32
      %add3A_63 = arith.addi %mul3A_61, %add3A_62 : i32
      %mul3A_64 = arith.constant 16 : i32
      %mul3A_65 = arith.muli %add3A_63, %mul3A_64 : i32
      %swap3A = arith.index_cast %mul3A_65 : i32 to index
      %swap3A_66 = tpu.vector_load %arg8[%swap3A] {strides = array<i32>} : memref<1024xi32, #tpu.memory_space<vmem>>, vector<16xi32>,
      tpu.vector_store %arg8[%swap3A], %broadcast_in_dim3A_9 {strides = array<i32>} : memref<1024xi32, #tpu.memory_space<vmem>>, vector<16xi32>,
      %mul3A_67 = arith.constant 8 : i32
      %mul3A_68 = arith.muli %scan3A_59, %mul3A_67 : i32
      %add3A_69 = arith.constant 1 : i32
      %add3A_70 = arith.addi %mul3A_68, %add3A_69 : i32
      %mul3A_71 = arith.constant 16 : i32
      %mul3A_72 = arith.muli %add3A_70, %mul3A_71 : i32
      %swap3A_73 = arith.index_cast %mul3A_72 : i32 to index
      %swap3A_74 = tpu.vector_load %arg8[%swap3A_73] {strides = array<i32>} : memref<1024xi32, #tpu.memory_space<vmem>>, vector<16xi32>,
      tpu.vector_store %arg8[%swap3A_73], %broadcast_in_dim3A_9 {strides = array<i32>} : memref<1024xi32, #tpu.memory_space<vmem>>, vector<16xi32>,
      %mul3A_75 = arith.constant 8 : i32
      %mul3A_76 = arith.muli %scan3A_59, %mul3A_75 : i32
      %add3A_77 = arith.constant 2 : i32
      %add3A_78 = arith.addi %mul3A_76, %add3A_77 : i32
      %mul3A_79 = arith.constant 16 : i32
      %mul3A_80 = arith.muli %add3A_78, %mul3A_79 : i32
      %swap3A_81 = arith.index_cast %mul3A_80 : i32 to index
      %swap3A_82 = tpu.vector_load %arg8[%swap3A_81] {strides = array<i32>} : memref<1024xi32, #tpu.memory_space<vmem>>, vector<16xi32>,
      tpu.vector_store %arg8[%swap3A_81], %broadcast_in_dim3A_9 {strides = array<i32>} : memref<1024xi32, #tpu.memory_space<vmem>>, vector<16xi32>,
      %mul3A_83 = arith.constant 8 : i32
      %mul3A_84 = arith.muli %scan3A_59, %mul3A_83 : i32
      %add3A_85 = arith.constant 3 : i32
      %add3A_86 = arith.addi %mul3A_84, %add3A_85 : i32
      %mul3A_87 = arith.constant 16 : i32
      %mul3A_88 = arith.muli %add3A_86, %mul3A_87 : i32
      %swap3A_89 = arith.index_cast %mul3A_88 : i32 to index
      %swap3A_90 = tpu.vector_load %arg8[%swap3A_89] {strides = array<i32>} : memref<1024xi32, #tpu.memory_space<vmem>>, vector<16xi32>,
      tpu.vector_store %arg8[%swap3A_89], %broadcast_in_dim3A_9 {strides = array<i32>} : memref<1024xi32, #tpu.memory_space<vmem>>, vector<16xi32>,
      %mul3A_91 = arith.constant 8 : i32
      %mul3A_92 = arith.muli %scan3A_59, %mul3A_91 : i32
      %add3A_93 = arith.constant 4 : i32
      %add3A_94 = arith.addi %mul3A_92, %add3A_93 : i32
      %mul3A_95 = arith.constant 16 : i32
      %mul3A_96 = arith.muli %add3A_94, %mul3A_95 : i32
      %swap3A_97 = arith.index_cast %mul3A_96 : i32 to index
      %swap3A_98 = tpu.vector_load %arg8[%swap3A_97] {strides = array<i32>} : memref<1024xi32, #tpu.memory_space<vmem>>, vector<16xi32>,
      tpu.vector_store %arg8[%swap3A_97], %broadcast_in_dim3A_9 {strides = array<i32>} : memref<1024xi32, #tpu.memory_space<vmem>>, vector<16xi32>,
      %mul3A_99 = arith.constant 8 : i32
      %mul3A_100 = arith.muli %scan3A_59, %mul3A_99 : i32
      %add3A_101 = arith.constant 5 : i32
      %add3A_102 = arith.addi %mul3A_100, %add3A_101 : i32
      %mul3A_103 = arith.constant 16 : i32
      %mul3A_104 = arith.muli %add3A_102, %mul3A_103 : i32
      %swap3A_105 = arith.index_cast %mul3A_104 : i32 to index
      %swap3A_106 = tpu.vector_load %arg8[%swap3A_105] {strides = array<i32>} : memref<1024xi32, #tpu.memory_space<vmem>>, vector<16xi32>,
      tpu.vector_store %arg8[%swap3A_105], %broadcast_in_dim3A_9 {strides = array<i32>} : memref<1024xi32, #tpu.memory_space<vmem>>, vector<16xi32>,
      %mul3A_107 = arith.constant 8 : i32
      %mul3A_108 = arith.muli %scan3A_59, %mul3A_107 : i32
      %add3A_109 = arith.constant 6 : i32
      %add3A_110 = arith.addi %mul3A_108, %add3A_109 : i32
      %mul3A_111 = arith.constant 16 : i32
      %mul3A_112 = arith.muli %add3A_110, %mul3A_111 : i32
      %swap3A_113 = arith.index_cast %mul3A_112 : i32 to index
      %swap3A_114 = tpu.vector_load %arg8[%swap3A_113] {strides = array<i32>} : memref<1024xi32, #tpu.memory_space<vmem>>, vector<16xi32>,
      tpu.vector_store %arg8[%swap3A_113], %broadcast_in_dim3A_9 {strides = array<i32>} : memref<1024xi32, #tpu.memory_space<vmem>>, vector<16xi32>,
      %mul3A_115 = arith.constant 8 : i32
      %mul3A_116 = arith.muli %scan3A_59, %mul3A_115 : i32
      %add3A_117 = arith.constant 7 : i32
      %add3A_118 = arith.addi %mul3A_116, %add3A_117 : i32
      %mul3A_119 = arith.constant 16 : i32
      %mul3A_120 = arith.muli %add3A_118, %mul3A_119 : i32
      %swap3A_121 = arith.index_cast %mul3A_120 : i32 to index
      %swap3A_122 = tpu.vector_load %arg8[%swap3A_121] {strides = array<i32>} : memref<1024xi32, #tpu.memory_space<vmem>>, vector<16xi32>,
      tpu.vector_store %arg8[%swap3A_121], %broadcast_in_dim3A_9 {strides = array<i32>} : memref<1024xi32, #tpu.memory_space<vmem>>, vector<16xi32>,
    }
    %scan3A_20 = arith.constant 8 : i32
    %scan3A_21 = arith.constant 0 : i32
    %scan3A_22 = arith.constant 0 : i32
    %scan3A_23 = arith.constant 156 : i32
    %scan3A_24 = arith.addi %scan3A_22, %scan3A_23 : i32
    %scan3A_25 = arith.constant 1 : i32
    scf.for %scan3A_59 = %scan3A_22 to %scan3A_24 step %scan3A_25  : i32 {
      %mul3A_60 = arith.constant 8 : i32
      %mul3A_61 = arith.muli %scan3A_59, %mul3A_60 : i32
      %add3A_62 = arith.constant 0 : i32
      %add3A_63 = arith.addi %mul3A_61, %add3A_62 : i32
      %mul3A_64 = arith.constant 16 : i32
      %mul3A_65 = arith.muli %add3A_63, %mul3A_64 : i32
      %swap3A = arith.index_cast %mul3A_65 : i32 to index
      %swap3A_66 = tpu.vector_load %arg7[%swap3A] {strides = array<i32>} : memref<20000xi32, #tpu.memory_space<vmem>>, vector<16xi32>,
      tpu.vector_store %arg7[%swap3A], %broadcast_in_dim3A_9 {strides = array<i32>} : memref<20000xi32, #tpu.memory_space<vmem>>, vector<16xi32>,
      %mul3A_67 = arith.constant 8 : i32
      %mul3A_68 = arith.muli %scan3A_59, %mul3A_67 : i32
      %add3A_69 = arith.constant 1 : i32
      %add3A_70 = arith.addi %mul3A_68, %add3A_69 : i32
      %mul3A_71 = arith.constant 16 : i32
      %mul3A_72 = arith.muli %add3A_70, %mul3A_71 : i32
      %swap3A_73 = arith.index_cast %mul3A_72 : i32 to index
      %swap3A_74 = tpu.vector_load %arg7[%swap3A_73] {strides = array<i32>} : memref<20000xi32, #tpu.memory_space<vmem>>, vector<16xi32>,
      tpu.vector_store %arg7[%swap3A_73], %broadcast_in_dim3A_9 {strides = array<i32>} : memref<20000xi32, #tpu.memory_space<vmem>>, vector<16xi32>,
      %mul3A_75 = arith.constant 8 : i32
      %mul3A_76 = arith.muli %scan3A_59, %mul3A_75 : i32
      %add3A_77 = arith.constant 2 : i32
      %add3A_78 = arith.addi %mul3A_76, %add3A_77 : i32
      %mul3A_79 = arith.constant 16 : i32
      %mul3A_80 = arith.muli %add3A_78, %mul3A_79 : i32
      %swap3A_81 = arith.index_cast %mul3A_80 : i32 to index
      %swap3A_82 = tpu.vector_load %arg7[%swap3A_81] {strides = array<i32>} : memref<20000xi32, #tpu.memory_space<vmem>>, vector<16xi32>,
      tpu.vector_store %arg7[%swap3A_81], %broadcast_in_dim3A_9 {strides = array<i32>} : memref<20000xi32, #tpu.memory_space<vmem>>, vector<16xi32>,
      %mul3A_83 = arith.constant 8 : i32
      %mul3A_84 = arith.muli %scan3A_59, %mul3A_83 : i32
      %add3A_85 = arith.constant 3 : i32
      %add3A_86 = arith.addi %mul3A_84, %add3A_85 : i32
      %mul3A_87 = arith.constant 16 : i32
      %mul3A_88 = arith.muli %add3A_86, %mul3A_87 : i32
      %swap3A_89 = arith.index_cast %mul3A_88 : i32 to index
      %swap3A_90 = tpu.vector_load %arg7[%swap3A_89] {strides = array<i32>} : memref<20000xi32, #tpu.memory_space<vmem>>, vector<16xi32>,
      tpu.vector_store %arg7[%swap3A_89], %broadcast_in_dim3A_9 {strides = array<i32>} : memref<20000xi32, #tpu.memory_space<vmem>>, vector<16xi32>,
      %mul3A_91 = arith.constant 8 : i32
      %mul3A_92 = arith.muli %scan3A_59, %mul3A_91 : i32
      %add3A_93 = arith.constant 4 : i32
      %add3A_94 = arith.addi %mul3A_92, %add3A_93 : i32
      %mul3A_95 = arith.constant 16 : i32
      %mul3A_96 = arith.muli %add3A_94, %mul3A_95 : i32
      %swap3A_97 = arith.index_cast %mul3A_96 : i32 to index
      %swap3A_98 = tpu.vector_load %arg7[%swap3A_97] {strides = array<i32>} : memref<20000xi32, #tpu.memory_space<vmem>>, vector<16xi32>,
      tpu.vector_store %arg7[%swap3A_97], %broadcast_in_dim3A_9 {strides = array<i32>} : memref<20000xi32, #tpu.memory_space<vmem>>, vector<16xi32>,
      %mul3A_99 = arith.constant 8 : i32
      %mul3A_100 = arith.muli %scan3A_59, %mul3A_99 : i32
      %add3A_101 = arith.constant 5 : i32
      %add3A_102 = arith.addi %mul3A_100, %add3A_101 : i32
      %mul3A_103 = arith.constant 16 : i32
      %mul3A_104 = arith.muli %add3A_102, %mul3A_103 : i32
      %swap3A_105 = arith.index_cast %mul3A_104 : i32 to index
      %swap3A_106 = tpu.vector_load %arg7[%swap3A_105] {strides = array<i32>} : memref<20000xi32, #tpu.memory_space<vmem>>, vector<16xi32>,
      tpu.vector_store %arg7[%swap3A_105], %broadcast_in_dim3A_9 {strides = array<i32>} : memref<20000xi32, #tpu.memory_space<vmem>>, vector<16xi32>,
      %mul3A_107 = arith.constant 8 : i32
      %mul3A_108 = arith.muli %scan3A_59, %mul3A_107 : i32
      %add3A_109 = arith.constant 6 : i32
      %add3A_110 = arith.addi %mul3A_108, %add3A_109 : i32
      %mul3A_111 = arith.constant 16 : i32
      %mul3A_112 = arith.muli %add3A_110, %mul3A_111 : i32
      %swap3A_113 = arith.index_cast %mul3A_112 : i32 to index
      %swap3A_114 = tpu.vector_load %arg7[%swap3A_113] {strides = array<i32>} : memref<20000xi32, #tpu.memory_space<vmem>>, vector<16xi32>,
      tpu.vector_store %arg7[%swap3A_113], %broadcast_in_dim3A_9 {strides = array<i32>} : memref<20000xi32, #tpu.memory_space<vmem>>, vector<16xi32>,
      %mul3A_115 = arith.constant 8 : i32
      %mul3A_116 = arith.muli %scan3A_59, %mul3A_115 : i32
      %add3A_117 = arith.constant 7 : i32
      %add3A_118 = arith.addi %mul3A_116, %add3A_117 : i32
      %mul3A_119 = arith.constant 16 : i32
      %mul3A_120 = arith.muli %add3A_118, %mul3A_119 : i32
      %swap3A_121 = arith.index_cast %mul3A_120 : i32 to index
      %swap3A_122 = tpu.vector_load %arg7[%swap3A_121] {strides = array<i32>} : memref<20000xi32, #tpu.memory_space<vmem>>, vector<16xi32>,
      tpu.vector_store %arg7[%swap3A_121], %broadcast_in_dim3A_9 {strides = array<i32>} : memref<20000xi32, #tpu.memory_space<vmem>>, vector<16xi32>,
    }
    %scan3A_26 = arith.constant 156 : i32
    %eq3A_27 = arith.constant 0 : i32
    %eq3A_28 = arith.cmpi eq, %arg1, %eq3A_27 : i32
    %convert_element_type3A_29 = arith.extui %eq3A_28 : i1 to i32
    %cond3A_30 = arith.constant 0 : i32
    %cond3A_31 = arith.cmpi ne, %convert_element_type3A_29, %cond3A_30 : i32
    scf.if %cond3A_31 {
      tpu.wait_dma2 semaphore(%arg11 : memref<!tpu.dma_semaphore, #tpu.memory_space<semaphore_mem>>) src(%arg2 : memref<80000xf32, #tpu.memory_space<hbm>>) dst(%arg5 : memref<80000xf32, #tpu.memory_space<vmem_shared>>)
    } else {
    }
    %barrier3A = arith.constant 0 : index
    tpu.barrier barrier_id(%barrier3A)
    "tpu.region"() ({
      %run_scoped3A = tpu.sem_alloc : memref<!tpu.dma_semaphore, #tpu.memory_space<semaphore_mem>>
      tpu.enqueue_dma source(%arg5 : memref<80000xf32, #tpu.memory_space<vmem_shared>>) target(%arg6 : memref<80000xf32, #tpu.memory_space<vmem>>) target_semaphore(%run_scoped3A : memref<!tpu.dma_semaphore, #tpu.memory_space<semaphore_mem>>)
      tpu.wait_dma2 semaphore(%run_scoped3A : memref<!tpu.dma_semaphore, #tpu.memory_space<semaphore_mem>>) src(%arg5 : memref<80000xf32, #tpu.memory_space<vmem_shared>>) dst(%arg6 : memref<80000xf32, #tpu.memory_space<vmem>>)
      tpu.yield
    }) : () -> ()
    %iota3A = tpu.iota {dimensions = array<i32: 0>} : vector<16xi32>
    %add3A_32 = arith.constant 1 : i32
    %add3A_33 = vector.broadcast %add3A_32 : i32 to vector<16xi32>
    %add3A_34 = arith.addi %iota3A, %add3A_33 : vector<16xi32>
    %scan3A_35 = arith.constant 0 : i32
    %scan3A_36 = arith.constant 0 : i32
    %scan3A_37 = arith.constant 125 : i32
    %scan3A_38 = arith.addi %scan3A_36, %scan3A_37 : i32
    %scan3A_39 = arith.constant 1 : i32
    scf.for %scan3A_59 = %scan3A_36 to %scan3A_38 step %scan3A_39  : i32 {
      %mul3A_60 = arith.constant 10 : i32
      %mul3A_61 = arith.muli %scan3A_59, %mul3A_60 : i32
      %add3A_62 = arith.constant 0 : i32
      %add3A_63 = arith.addi %mul3A_61, %add3A_62 : i32
      %mul3A_64 = arith.constant 16 : i32
      %mul3A_65 = arith.muli %add3A_63, %mul3A_64 : i32
      %add3A_66 = arith.constant 20000 : i32
      %add3A_67 = arith.addi %add3A_66, %mul3A_65 : i32
      %get3A = arith.index_cast %add3A_67 : i32 to index
      %get3A_68 = tpu.vector_load %arg6[%get3A] {strides = array<i32>} : memref<80000xf32, #tpu.memory_space<vmem>>, vector<16xf32>,
      %mul3A_69 = arith.constant 5.120000e+02 : f32
      %mul3A_70 = vector.broadcast %mul3A_69 : f32 to vector<16xf32>
      %mul3A_71 = arith.mulf %get3A_68, %mul3A_70 : vector<16xf32>
      %convert_element_type3A_72 = arith.fptosi %mul3A_71 : vector<16xf32> to vector<16xi32>
      %sub3A = vector.broadcast %mul3A_2 : i32 to vector<16xi32>
      %sub3A_73 = arith.subi %convert_element_type3A_72, %sub3A : vector<16xi32>
      %lt3A = arith.constant 16 : i32
      %lt3A_74 = vector.broadcast %lt3A : i32 to vector<16xi32>
      %lt3A_75 = arith.cmpi ult, %sub3A_73, %lt3A_74 : vector<16xi32>
      %add3A_76 = vector.broadcast %mul3A_65 : i32 to vector<16xi32>
      %add3A_77 = arith.addi %add3A_34, %add3A_76 : vector<16xi32>
      %swap3A = arith.index_cast %mul3A_65 : i32 to index
      %swap3A_78 = tpu.vector_load %arg7[%swap3A] masked %lt3A_75 {strides = array<i32>} : memref<20000xi32, #tpu.memory_space<vmem>>, vector<16xi32>, vector<16xi1>
      tpu.vector_store %arg7[%swap3A], %add3A_77 masked %lt3A_75 {strides = array<i32>} : memref<20000xi32, #tpu.memory_space<vmem>>, vector<16xi32>, vector<16xi1>
      %mul3A_79 = arith.constant 10 : i32
      %mul3A_80 = arith.muli %scan3A_59, %mul3A_79 : i32
      %add3A_81 = arith.constant 1 : i32
      %add3A_82 = arith.addi %mul3A_80, %add3A_81 : i32
      %mul3A_83 = arith.constant 16 : i32
      %mul3A_84 = arith.muli %add3A_82, %mul3A_83 : i32
      %add3A_85 = arith.constant 20000 : i32
      %add3A_86 = arith.addi %add3A_85, %mul3A_84 : i32
      %get3A_87 = arith.index_cast %add3A_86 : i32 to index
      %get3A_88 = tpu.vector_load %arg6[%get3A_87] {strides = array<i32>} : memref<80000xf32, #tpu.memory_space<vmem>>, vector<16xf32>,
      %mul3A_89 = arith.constant 5.120000e+02 : f32
      %mul3A_90 = vector.broadcast %mul3A_89 : f32 to vector<16xf32>
      %mul3A_91 = arith.mulf %get3A_88, %mul3A_90 : vector<16xf32>
      %convert_element_type3A_92 = arith.fptosi %mul3A_91 : vector<16xf32> to vector<16xi32>
      %sub3A_93 = vector.broadcast %mul3A_2 : i32 to vector<16xi32>
      %sub3A_94 = arith.subi %convert_element_type3A_92, %sub3A_93 : vector<16xi32>
      %lt3A_95 = arith.constant 16 : i32
      %lt3A_96 = vector.broadcast %lt3A_95 : i32 to vector<16xi32>
      %lt3A_97 = arith.cmpi ult, %sub3A_94, %lt3A_96 : vector<16xi32>
      %add3A_98 = vector.broadcast %mul3A_84 : i32 to vector<16xi32>
      %add3A_99 = arith.addi %add3A_34, %add3A_98 : vector<16xi32>
      %swap3A_100 = arith.index_cast %mul3A_84 : i32 to index
      %swap3A_101 = tpu.vector_load %arg7[%swap3A_100] masked %lt3A_97 {strides = array<i32>} : memref<20000xi32, #tpu.memory_space<vmem>>, vector<16xi32>, vector<16xi1>
      tpu.vector_store %arg7[%swap3A_100], %add3A_99 masked %lt3A_97 {strides = array<i32>} : memref<20000xi32, #tpu.memory_space<vmem>>, vector<16xi32>, vector<16xi1>
      %mul3A_102 = arith.constant 10 : i32
      %mul3A_103 = arith.muli %scan3A_59, %mul3A_102 : i32
      %add3A_104 = arith.constant 2 : i32
      %add3A_105 = arith.addi %mul3A_103, %add3A_104 : i32
      %mul3A_106 = arith.constant 16 : i32
      %mul3A_107 = arith.muli %add3A_105, %mul3A_106 : i32
      %add3A_108 = arith.constant 20000 : i32
      %add3A_109 = arith.addi %add3A_108, %mul3A_107 : i32
      %get3A_110 = arith.index_cast %add3A_109 : i32 to index
      %get3A_111 = tpu.vector_load %arg6[%get3A_110] {strides = array<i32>} : memref<80000xf32, #tpu.memory_space<vmem>>, vector<16xf32>,
      %mul3A_112 = arith.constant 5.120000e+02 : f32
      %mul3A_113 = vector.broadcast %mul3A_112 : f32 to vector<16xf32>
      %mul3A_114 = arith.mulf %get3A_111, %mul3A_113 : vector<16xf32>
      %convert_element_type3A_115 = arith.fptosi %mul3A_114 : vector<16xf32> to vector<16xi32>
      %sub3A_116 = vector.broadcast %mul3A_2 : i32 to vector<16xi32>
      %sub3A_117 = arith.subi %convert_element_type3A_115, %sub3A_116 : vector<16xi32>
      %lt3A_118 = arith.constant 16 : i32
      %lt3A_119 = vector.broadcast %lt3A_118 : i32 to vector<16xi32>
      %lt3A_120 = arith.cmpi ult, %sub3A_117, %lt3A_119 : vector<16xi32>
      %add3A_121 = vector.broadcast %mul3A_107 : i32 to vector<16xi32>
      %add3A_122 = arith.addi %add3A_34, %add3A_121 : vector<16xi32>
      %swap3A_123 = arith.index_cast %mul3A_107 : i32 to index
      %swap3A_124 = tpu.vector_load %arg7[%swap3A_123] masked %lt3A_120 {strides = array<i32>} : memref<20000xi32, #tpu.memory_space<vmem>>, vector<16xi32>, vector<16xi1>
      tpu.vector_store %arg7[%swap3A_123], %add3A_122 masked %lt3A_120 {strides = array<i32>} : memref<20000xi32, #tpu.memory_space<vmem>>, vector<16xi32>, vector<16xi1>
      %mul3A_125 = arith.constant 10 : i32
      %mul3A_126 = arith.muli %scan3A_59, %mul3A_125 : i32
      %add3A_127 = arith.constant 3 : i32
      %add3A_128 = arith.addi %mul3A_126, %add3A_127 : i32
      %mul3A_129 = arith.constant 16 : i32
      %mul3A_130 = arith.muli %add3A_128, %mul3A_129 : i32
      %add3A_131 = arith.constant 20000 : i32
      %add3A_132 = arith.addi %add3A_131, %mul3A_130 : i32
      %get3A_133 = arith.index_cast %add3A_132 : i32 to index
      %get3A_134 = tpu.vector_load %arg6[%get3A_133] {strides = array<i32>} : memref<80000xf32, #tpu.memory_space<vmem>>, vector<16xf32>,
      %mul3A_135 = arith.constant 5.120000e+02 : f32
      %mul3A_136 = vector.broadcast %mul3A_135 : f32 to vector<16xf32>
      %mul3A_137 = arith.mulf %get3A_134, %mul3A_136 : vector<16xf32>
      %convert_element_type3A_138 = arith.fptosi %mul3A_137 : vector<16xf32> to vector<16xi32>
      %sub3A_139 = vector.broadcast %mul3A_2 : i32 to vector<16xi32>
      %sub3A_140 = arith.subi %convert_element_type3A_138, %sub3A_139 : vector<16xi32>
      %lt3A_141 = arith.constant 16 : i32
      %lt3A_142 = vector.broadcast %lt3A_141 : i32 to vector<16xi32>
      %lt3A_143 = arith.cmpi ult, %sub3A_140, %lt3A_142 : vector<16xi32>
      %add3A_144 = vector.broadcast %mul3A_130 : i32 to vector<16xi32>
      %add3A_145 = arith.addi %add3A_34, %add3A_144 : vector<16xi32>
      %swap3A_146 = arith.index_cast %mul3A_130 : i32 to index
      %swap3A_147 = tpu.vector_load %arg7[%swap3A_146] masked %lt3A_143 {strides = array<i32>} : memref<20000xi32, #tpu.memory_space<vmem>>, vector<16xi32>, vector<16xi1>
      tpu.vector_store %arg7[%swap3A_146], %add3A_145 masked %lt3A_143 {strides = array<i32>} : memref<20000xi32, #tpu.memory_space<vmem>>, vector<16xi32>, vector<16xi1>
      %mul3A_148 = arith.constant 10 : i32
      %mul3A_149 = arith.muli %scan3A_59, %mul3A_148 : i32
      %add3A_150 = arith.constant 4 : i32
      %add3A_151 = arith.addi %mul3A_149, %add3A_150 : i32
      %mul3A_152 = arith.constant 16 : i32
      %mul3A_153 = arith.muli %add3A_151, %mul3A_152 : i32
      %add3A_154 = arith.constant 20000 : i32
      %add3A_155 = arith.addi %add3A_154, %mul3A_153 : i32
      %get3A_156 = arith.index_cast %add3A_155 : i32 to index
      %get3A_157 = tpu.vector_load %arg6[%get3A_156] {strides = array<i32>} : memref<80000xf32, #tpu.memory_space<vmem>>, vector<16xf32>,
      %mul3A_158 = arith.constant 5.120000e+02 : f32
      %mul3A_159 = vector.broadcast %mul3A_158 : f32 to vector<16xf32>
      %mul3A_160 = arith.mulf %get3A_157, %mul3A_159 : vector<16xf32>
      %convert_element_type3A_161 = arith.fptosi %mul3A_160 : vector<16xf32> to vector<16xi32>
      %sub3A_162 = vector.broadcast %mul3A_2 : i32 to vector<16xi32>
      %sub3A_163 = arith.subi %convert_element_type3A_161, %sub3A_162 : vector<16xi32>
      %lt3A_164 = arith.constant 16 : i32
      %lt3A_165 = vector.broadcast %lt3A_164 : i32 to vector<16xi32>
      %lt3A_166 = arith.cmpi ult, %sub3A_163, %lt3A_165 : vector<16xi32>
      %add3A_167 = vector.broadcast %mul3A_153 : i32 to vector<16xi32>
      %add3A_168 = arith.addi %add3A_34, %add3A_167 : vector<16xi32>
      %swap3A_169 = arith.index_cast %mul3A_153 : i32 to index
      %swap3A_170 = tpu.vector_load %arg7[%swap3A_169] masked %lt3A_166 {strides = array<i32>} : memref<20000xi32, #tpu.memory_space<vmem>>, vector<16xi32>, vector<16xi1>
      tpu.vector_store %arg7[%swap3A_169], %add3A_168 masked %lt3A_166 {strides = array<i32>} : memref<20000xi32, #tpu.memory_space<vmem>>, vector<16xi32>, vector<16xi1>
      %mul3A_171 = arith.constant 10 : i32
      %mul3A_172 = arith.muli %scan3A_59, %mul3A_171 : i32
      %add3A_173 = arith.constant 5 : i32
      %add3A_174 = arith.addi %mul3A_172, %add3A_173 : i32
      %mul3A_175 = arith.constant 16 : i32
      %mul3A_176 = arith.muli %add3A_174, %mul3A_175 : i32
      %add3A_177 = arith.constant 20000 : i32
      %add3A_178 = arith.addi %add3A_177, %mul3A_176 : i32
      %get3A_179 = arith.index_cast %add3A_178 : i32 to index
      %get3A_180 = tpu.vector_load %arg6[%get3A_179] {strides = array<i32>} : memref<80000xf32, #tpu.memory_space<vmem>>, vector<16xf32>,
      %mul3A_181 = arith.constant 5.120000e+02 : f32
      %mul3A_182 = vector.broadcast %mul3A_181 : f32 to vector<16xf32>
      %mul3A_183 = arith.mulf %get3A_180, %mul3A_182 : vector<16xf32>
      %convert_element_type3A_184 = arith.fptosi %mul3A_183 : vector<16xf32> to vector<16xi32>
      %sub3A_185 = vector.broadcast %mul3A_2 : i32 to vector<16xi32>
      %sub3A_186 = arith.subi %convert_element_type3A_184, %sub3A_185 : vector<16xi32>
      %lt3A_187 = arith.constant 16 : i32
      %lt3A_188 = vector.broadcast %lt3A_187 : i32 to vector<16xi32>
      %lt3A_189 = arith.cmpi ult, %sub3A_186, %lt3A_188 : vector<16xi32>
      %add3A_190 = vector.broadcast %mul3A_176 : i32 to vector<16xi32>
      %add3A_191 = arith.addi %add3A_34, %add3A_190 : vector<16xi32>
      %swap3A_192 = arith.index_cast %mul3A_176 : i32 to index
      %swap3A_193 = tpu.vector_load %arg7[%swap3A_192] masked %lt3A_189 {strides = array<i32>} : memref<20000xi32, #tpu.memory_space<vmem>>, vector<16xi32>, vector<16xi1>
      tpu.vector_store %arg7[%swap3A_192], %add3A_191 masked %lt3A_189 {strides = array<i32>} : memref<20000xi32, #tpu.memory_space<vmem>>, vector<16xi32>, vector<16xi1>
      %mul3A_194 = arith.constant 10 : i32
      %mul3A_195 = arith.muli %scan3A_59, %mul3A_194 : i32
      %add3A_196 = arith.constant 6 : i32
      %add3A_197 = arith.addi %mul3A_195, %add3A_196 : i32
      %mul3A_198 = arith.constant 16 : i32
      %mul3A_199 = arith.muli %add3A_197, %mul3A_198 : i32
      %add3A_200 = arith.constant 20000 : i32
      %add3A_201 = arith.addi %add3A_200, %mul3A_199 : i32
      %get3A_202 = arith.index_cast %add3A_201 : i32 to index
      %get3A_203 = tpu.vector_load %arg6[%get3A_202] {strides = array<i32>} : memref<80000xf32, #tpu.memory_space<vmem>>, vector<16xf32>,
      %mul3A_204 = arith.constant 5.120000e+02 : f32
      %mul3A_205 = vector.broadcast %mul3A_204 : f32 to vector<16xf32>
      %mul3A_206 = arith.mulf %get3A_203, %mul3A_205 : vector<16xf32>
      %convert_element_type3A_207 = arith.fptosi %mul3A_206 : vector<16xf32> to vector<16xi32>
      %sub3A_208 = vector.broadcast %mul3A_2 : i32 to vector<16xi32>
      %sub3A_209 = arith.subi %convert_element_type3A_207, %sub3A_208 : vector<16xi32>
      %lt3A_210 = arith.constant 16 : i32
      %lt3A_211 = vector.broadcast %lt3A_210 : i32 to vector<16xi32>
      %lt3A_212 = arith.cmpi ult, %sub3A_209, %lt3A_211 : vector<16xi32>
      %add3A_213 = vector.broadcast %mul3A_199 : i32 to vector<16xi32>
      %add3A_214 = arith.addi %add3A_34, %add3A_213 : vector<16xi32>
      %swap3A_215 = arith.index_cast %mul3A_199 : i32 to index
      %swap3A_216 = tpu.vector_load %arg7[%swap3A_215] masked %lt3A_212 {strides = array<i32>} : memref<20000xi32, #tpu.memory_space<vmem>>, vector<16xi32>, vector<16xi1>
      tpu.vector_store %arg7[%swap3A_215], %add3A_214 masked %lt3A_212 {strides = array<i32>} : memref<20000xi32, #tpu.memory_space<vmem>>, vector<16xi32>, vector<16xi1>
      %mul3A_217 = arith.constant 10 : i32
      %mul3A_218 = arith.muli %scan3A_59, %mul3A_217 : i32
      %add3A_219 = arith.constant 7 : i32
      %add3A_220 = arith.addi %mul3A_218, %add3A_219 : i32
      %mul3A_221 = arith.constant 16 : i32
      %mul3A_222 = arith.muli %add3A_220, %mul3A_221 : i32
      %add3A_223 = arith.constant 20000 : i32
      %add3A_224 = arith.addi %add3A_223, %mul3A_222 : i32
      %get3A_225 = arith.index_cast %add3A_224 : i32 to index
      %get3A_226 = tpu.vector_load %arg6[%get3A_225] {strides = array<i32>} : memref<80000xf32, #tpu.memory_space<vmem>>, vector<16xf32>,
      %mul3A_227 = arith.constant 5.120000e+02 : f32
      %mul3A_228 = vector.broadcast %mul3A_227 : f32 to vector<16xf32>
      %mul3A_229 = arith.mulf %get3A_226, %mul3A_228 : vector<16xf32>
      %convert_element_type3A_230 = arith.fptosi %mul3A_229 : vector<16xf32> to vector<16xi32>
      %sub3A_231 = vector.broadcast %mul3A_2 : i32 to vector<16xi32>
      %sub3A_232 = arith.subi %convert_element_type3A_230, %sub3A_231 : vector<16xi32>
      %lt3A_233 = arith.constant 16 : i32
      %lt3A_234 = vector.broadcast %lt3A_233 : i32 to vector<16xi32>
      %lt3A_235 = arith.cmpi ult, %sub3A_232, %lt3A_234 : vector<16xi32>
      %add3A_236 = vector.broadcast %mul3A_222 : i32 to vector<16xi32>
      %add3A_237 = arith.addi %add3A_34, %add3A_236 : vector<16xi32>
      %swap3A_238 = arith.index_cast %mul3A_222 : i32 to index
      %swap3A_239 = tpu.vector_load %arg7[%swap3A_238] masked %lt3A_235 {strides = array<i32>} : memref<20000xi32, #tpu.memory_space<vmem>>, vector<16xi32>, vector<16xi1>
      tpu.vector_store %arg7[%swap3A_238], %add3A_237 masked %lt3A_235 {strides = array<i32>} : memref<20000xi32, #tpu.memory_space<vmem>>, vector<16xi32>, vector<16xi1>
      %mul3A_240 = arith.constant 10 : i32
      %mul3A_241 = arith.muli %scan3A_59, %mul3A_240 : i32
      %add3A_242 = arith.constant 8 : i32
      %add3A_243 = arith.addi %mul3A_241, %add3A_242 : i32
      %mul3A_244 = arith.constant 16 : i32
      %mul3A_245 = arith.muli %add3A_243, %mul3A_244 : i32
      %add3A_246 = arith.constant 20000 : i32
      %add3A_247 = arith.addi %add3A_246, %mul3A_245 : i32
      %get3A_248 = arith.index_cast %add3A_247 : i32 to index
      %get3A_249 = tpu.vector_load %arg6[%get3A_248] {strides = array<i32>} : memref<80000xf32, #tpu.memory_space<vmem>>, vector<16xf32>,
      %mul3A_250 = arith.constant 5.120000e+02 : f32
      %mul3A_251 = vector.broadcast %mul3A_250 : f32 to vector<16xf32>
      %mul3A_252 = arith.mulf %get3A_249, %mul3A_251 : vector<16xf32>
      %convert_element_type3A_253 = arith.fptosi %mul3A_252 : vector<16xf32> to vector<16xi32>
      %sub3A_254 = vector.broadcast %mul3A_2 : i32 to vector<16xi32>
      %sub3A_255 = arith.subi %convert_element_type3A_253, %sub3A_254 : vector<16xi32>
      %lt3A_256 = arith.constant 16 : i32
      %lt3A_257 = vector.broadcast %lt3A_256 : i32 to vector<16xi32>
      %lt3A_258 = arith.cmpi ult, %sub3A_255, %lt3A_257 : vector<16xi32>
      %add3A_259 = vector.broadcast %mul3A_245 : i32 to vector<16xi32>
      %add3A_260 = arith.addi %add3A_34, %add3A_259 : vector<16xi32>
      %swap3A_261 = arith.index_cast %mul3A_245 : i32 to index
      %swap3A_262 = tpu.vector_load %arg7[%swap3A_261] masked %lt3A_258 {strides = array<i32>} : memref<20000xi32, #tpu.memory_space<vmem>>, vector<16xi32>, vector<16xi1>
      tpu.vector_store %arg7[%swap3A_261], %add3A_260 masked %lt3A_258 {strides = array<i32>} : memref<20000xi32, #tpu.memory_space<vmem>>, vector<16xi32>, vector<16xi1>
      %mul3A_263 = arith.constant 10 : i32
      %mul3A_264 = arith.muli %scan3A_59, %mul3A_263 : i32
      %add3A_265 = arith.constant 9 : i32
      %add3A_266 = arith.addi %mul3A_264, %add3A_265 : i32
      %mul3A_267 = arith.constant 16 : i32
      %mul3A_268 = arith.muli %add3A_266, %mul3A_267 : i32
      %add3A_269 = arith.constant 20000 : i32
      %add3A_270 = arith.addi %add3A_269, %mul3A_268 : i32
      %get3A_271 = arith.index_cast %add3A_270 : i32 to index
      %get3A_272 = tpu.vector_load %arg6[%get3A_271] {strides = array<i32>} : memref<80000xf32, #tpu.memory_space<vmem>>, vector<16xf32>,
      %mul3A_273 = arith.constant 5.120000e+02 : f32
      %mul3A_274 = vector.broadcast %mul3A_273 : f32 to vector<16xf32>
      %mul3A_275 = arith.mulf %get3A_272, %mul3A_274 : vector<16xf32>
      %convert_element_type3A_276 = arith.fptosi %mul3A_275 : vector<16xf32> to vector<16xi32>
      %sub3A_277 = vector.broadcast %mul3A_2 : i32 to vector<16xi32>
      %sub3A_278 = arith.subi %convert_element_type3A_276, %sub3A_277 : vector<16xi32>
      %lt3A_279 = arith.constant 16 : i32
      %lt3A_280 = vector.broadcast %lt3A_279 : i32 to vector<16xi32>
      %lt3A_281 = arith.cmpi ult, %sub3A_278, %lt3A_280 : vector<16xi32>
      %add3A_282 = vector.broadcast %mul3A_268 : i32 to vector<16xi32>
      %add3A_283 = arith.addi %add3A_34, %add3A_282 : vector<16xi32>
      %swap3A_284 = arith.index_cast %mul3A_268 : i32 to index
      %swap3A_285 = tpu.vector_load %arg7[%swap3A_284] masked %lt3A_281 {strides = array<i32>} : memref<20000xi32, #tpu.memory_space<vmem>>, vector<16xi32>, vector<16xi1>
      tpu.vector_store %arg7[%swap3A_284], %add3A_283 masked %lt3A_281 {strides = array<i32>} : memref<20000xi32, #tpu.memory_space<vmem>>, vector<16xi32>, vector<16xi1>
    }
    %scan3A_40 = arith.constant 125 : i32
    %broadcast_in_dim3A_41 = arith.constant 0 : i32
    %broadcast_in_dim3A_42 = vector.broadcast %broadcast_in_dim3A_41 : i32 to vector<16xi32>
    %scan3A_43 = arith.constant 0 : i32
    %scan3A_44 = arith.constant 125 : i32
    %scan3A_45 = arith.addi %scan3A_43, %scan3A_44 : i32
    %scan3A_46 = arith.constant 1 : i32
    %scan3A_47 = scf.for %scan3A_59 = %scan3A_43 to %scan3A_45 step %scan3A_46 iter_args(%scan3A_60 = %broadcast_in_dim3A_42) -> (vector<16xi32>)  : i32 {
      %mul3A_61 = arith.constant 10 : i32
      %mul3A_62 = arith.muli %scan3A_59, %mul3A_61 : i32
      %add3A_63 = arith.constant 0 : i32
      %add3A_64 = arith.addi %mul3A_62, %add3A_63 : i32
      %mul3A_65 = arith.constant 16 : i32
      %mul3A_66 = arith.muli %add3A_64, %mul3A_65 : i32
      %get3A = arith.index_cast %mul3A_66 : i32 to index
      %get3A_67 = tpu.vector_load %arg7[%get3A] {strides = array<i32>} : memref<20000xi32, #tpu.memory_space<vmem>>, vector<16xi32>,
      %gt3A = arith.constant 0 : i32
      %gt3A_68 = vector.broadcast %gt3A : i32 to vector<16xi32>
      %gt3A_69 = arith.cmpi sgt, %get3A_67, %gt3A_68 : vector<16xi32>
      %all_reduce_population_count3A = tpu.all_reduce %gt3A_69 {dim = 0 : i64, kind = #tpu.reduction_kind<sum>} : vector<16xi1> -> vector<16xi32>
      %lt3A = arith.cmpi slt, %iota3A, %all_reduce_population_count3A : vector<16xi32>
      %add3A_70 = arith.addi %scan3A_60, %iota3A : vector<16xi32>
      %lt3A_71 = arith.constant 1024 : i32
      %lt3A_72 = vector.broadcast %lt3A_71 : i32 to vector<16xi32>
      %lt3A_73 = arith.cmpi ult, %add3A_70, %lt3A_72 : vector<16xi32>
      %and3A = arith.andi %lt3A, %lt3A_73 : vector<16xi1>
      %add3A_74 = arith.addi %scan3A_60, %iota3A : vector<16xi32>
      %sub3A = arith.constant 1 : i32
      %sub3A_75 = vector.broadcast %sub3A : i32 to vector<16xi32>
      %sub3A_76 = arith.subi %get3A_67, %sub3A_75 : vector<16xi32>
      tpu.vector_store_idx %arg8[%add3A_74], %sub3A_76 masked %and3A : memref<1024xi32, #tpu.memory_space<vmem>>[vector<16xi32>], vector<16xi32>, vector<16xi1>
      %add3A_77 = arith.addi %scan3A_60, %all_reduce_population_count3A : vector<16xi32>
      %mul3A_78 = arith.constant 10 : i32
      %mul3A_79 = arith.muli %scan3A_59, %mul3A_78 : i32
      %add3A_80 = arith.constant 1 : i32
      %add3A_81 = arith.addi %mul3A_79, %add3A_80 : i32
      %mul3A_82 = arith.constant 16 : i32
      %mul3A_83 = arith.muli %add3A_81, %mul3A_82 : i32
      %get3A_84 = arith.index_cast %mul3A_83 : i32 to index
      %get3A_85 = tpu.vector_load %arg7[%get3A_84] {strides = array<i32>} : memref<20000xi32, #tpu.memory_space<vmem>>, vector<16xi32>,
      %gt3A_86 = arith.constant 0 : i32
      %gt3A_87 = vector.broadcast %gt3A_86 : i32 to vector<16xi32>
      %gt3A_88 = arith.cmpi sgt, %get3A_85, %gt3A_87 : vector<16xi32>
      %all_reduce_population_count3A_89 = tpu.all_reduce %gt3A_88 {dim = 0 : i64, kind = #tpu.reduction_kind<sum>} : vector<16xi1> -> vector<16xi32>
      %lt3A_90 = arith.cmpi slt, %iota3A, %all_reduce_population_count3A_89 : vector<16xi32>
      %add3A_91 = arith.addi %add3A_77, %iota3A : vector<16xi32>
      %lt3A_92 = arith.constant 1024 : i32
      %lt3A_93 = vector.broadcast %lt3A_92 : i32 to vector<16xi32>
      %lt3A_94 = arith.cmpi ult, %add3A_91, %lt3A_93 : vector<16xi32>
      %and3A_95 = arith.andi %lt3A_90, %lt3A_94 : vector<16xi1>
      %add3A_96 = arith.addi %add3A_77, %iota3A : vector<16xi32>
      %sub3A_97 = arith.constant 1 : i32
      %sub3A_98 = vector.broadcast %sub3A_97 : i32 to vector<16xi32>
      %sub3A_99 = arith.subi %get3A_85, %sub3A_98 : vector<16xi32>
      tpu.vector_store_idx %arg8[%add3A_96], %sub3A_99 masked %and3A_95 : memref<1024xi32, #tpu.memory_space<vmem>>[vector<16xi32>], vector<16xi32>, vector<16xi1>
      %add3A_100 = arith.addi %add3A_77, %all_reduce_population_count3A_89 : vector<16xi32>
      %mul3A_101 = arith.constant 10 : i32
      %mul3A_102 = arith.muli %scan3A_59, %mul3A_101 : i32
      %add3A_103 = arith.constant 2 : i32
      %add3A_104 = arith.addi %mul3A_102, %add3A_103 : i32
      %mul3A_105 = arith.constant 16 : i32
      %mul3A_106 = arith.muli %add3A_104, %mul3A_105 : i32
      %get3A_107 = arith.index_cast %mul3A_106 : i32 to index
      %get3A_108 = tpu.vector_load %arg7[%get3A_107] {strides = array<i32>} : memref<20000xi32, #tpu.memory_space<vmem>>, vector<16xi32>,
      %gt3A_109 = arith.constant 0 : i32
      %gt3A_110 = vector.broadcast %gt3A_109 : i32 to vector<16xi32>
      %gt3A_111 = arith.cmpi sgt, %get3A_108, %gt3A_110 : vector<16xi32>
      %all_reduce_population_count3A_112 = tpu.all_reduce %gt3A_111 {dim = 0 : i64, kind = #tpu.reduction_kind<sum>} : vector<16xi1> -> vector<16xi32>
      %lt3A_113 = arith.cmpi slt, %iota3A, %all_reduce_population_count3A_112 : vector<16xi32>
      %add3A_114 = arith.addi %add3A_100, %iota3A : vector<16xi32>
      %lt3A_115 = arith.constant 1024 : i32
      %lt3A_116 = vector.broadcast %lt3A_115 : i32 to vector<16xi32>
      %lt3A_117 = arith.cmpi ult, %add3A_114, %lt3A_116 : vector<16xi32>
      %and3A_118 = arith.andi %lt3A_113, %lt3A_117 : vector<16xi1>
      %add3A_119 = arith.addi %add3A_100, %iota3A : vector<16xi32>
      %sub3A_120 = arith.constant 1 : i32
      %sub3A_121 = vector.broadcast %sub3A_120 : i32 to vector<16xi32>
      %sub3A_122 = arith.subi %get3A_108, %sub3A_121 : vector<16xi32>
      tpu.vector_store_idx %arg8[%add3A_119], %sub3A_122 masked %and3A_118 : memref<1024xi32, #tpu.memory_space<vmem>>[vector<16xi32>], vector<16xi32>, vector<16xi1>
      %add3A_123 = arith.addi %add3A_100, %all_reduce_population_count3A_112 : vector<16xi32>
      %mul3A_124 = arith.constant 10 : i32
      %mul3A_125 = arith.muli %scan3A_59, %mul3A_124 : i32
      %add3A_126 = arith.constant 3 : i32
      %add3A_127 = arith.addi %mul3A_125, %add3A_126 : i32
      %mul3A_128 = arith.constant 16 : i32
      %mul3A_129 = arith.muli %add3A_127, %mul3A_128 : i32
      %get3A_130 = arith.index_cast %mul3A_129 : i32 to index
      %get3A_131 = tpu.vector_load %arg7[%get3A_130] {strides = array<i32>} : memref<20000xi32, #tpu.memory_space<vmem>>, vector<16xi32>,
      %gt3A_132 = arith.constant 0 : i32
      %gt3A_133 = vector.broadcast %gt3A_132 : i32 to vector<16xi32>
      %gt3A_134 = arith.cmpi sgt, %get3A_131, %gt3A_133 : vector<16xi32>
      %all_reduce_population_count3A_135 = tpu.all_reduce %gt3A_134 {dim = 0 : i64, kind = #tpu.reduction_kind<sum>} : vector<16xi1> -> vector<16xi32>
      %lt3A_136 = arith.cmpi slt, %iota3A, %all_reduce_population_count3A_135 : vector<16xi32>
      %add3A_137 = arith.addi %add3A_123, %iota3A : vector<16xi32>
      %lt3A_138 = arith.constant 1024 : i32
      %lt3A_139 = vector.broadcast %lt3A_138 : i32 to vector<16xi32>
      %lt3A_140 = arith.cmpi ult, %add3A_137, %lt3A_139 : vector<16xi32>
      %and3A_141 = arith.andi %lt3A_136, %lt3A_140 : vector<16xi1>
      %add3A_142 = arith.addi %add3A_123, %iota3A : vector<16xi32>
      %sub3A_143 = arith.constant 1 : i32
      %sub3A_144 = vector.broadcast %sub3A_143 : i32 to vector<16xi32>
      %sub3A_145 = arith.subi %get3A_131, %sub3A_144 : vector<16xi32>
      tpu.vector_store_idx %arg8[%add3A_142], %sub3A_145 masked %and3A_141 : memref<1024xi32, #tpu.memory_space<vmem>>[vector<16xi32>], vector<16xi32>, vector<16xi1>
      %add3A_146 = arith.addi %add3A_123, %all_reduce_population_count3A_135 : vector<16xi32>
      %mul3A_147 = arith.constant 10 : i32
      %mul3A_148 = arith.muli %scan3A_59, %mul3A_147 : i32
      %add3A_149 = arith.constant 4 : i32
      %add3A_150 = arith.addi %mul3A_148, %add3A_149 : i32
      %mul3A_151 = arith.constant 16 : i32
      %mul3A_152 = arith.muli %add3A_150, %mul3A_151 : i32
      %get3A_153 = arith.index_cast %mul3A_152 : i32 to index
      %get3A_154 = tpu.vector_load %arg7[%get3A_153] {strides = array<i32>} : memref<20000xi32, #tpu.memory_space<vmem>>, vector<16xi32>,
      %gt3A_155 = arith.constant 0 : i32
      %gt3A_156 = vector.broadcast %gt3A_155 : i32 to vector<16xi32>
      %gt3A_157 = arith.cmpi sgt, %get3A_154, %gt3A_156 : vector<16xi32>
      %all_reduce_population_count3A_158 = tpu.all_reduce %gt3A_157 {dim = 0 : i64, kind = #tpu.reduction_kind<sum>} : vector<16xi1> -> vector<16xi32>
      %lt3A_159 = arith.cmpi slt, %iota3A, %all_reduce_population_count3A_158 : vector<16xi32>
      %add3A_160 = arith.addi %add3A_146, %iota3A : vector<16xi32>
      %lt3A_161 = arith.constant 1024 : i32
      %lt3A_162 = vector.broadcast %lt3A_161 : i32 to vector<16xi32>
      %lt3A_163 = arith.cmpi ult, %add3A_160, %lt3A_162 : vector<16xi32>
      %and3A_164 = arith.andi %lt3A_159, %lt3A_163 : vector<16xi1>
      %add3A_165 = arith.addi %add3A_146, %iota3A : vector<16xi32>
      %sub3A_166 = arith.constant 1 : i32
      %sub3A_167 = vector.broadcast %sub3A_166 : i32 to vector<16xi32>
      %sub3A_168 = arith.subi %get3A_154, %sub3A_167 : vector<16xi32>
      tpu.vector_store_idx %arg8[%add3A_165], %sub3A_168 masked %and3A_164 : memref<1024xi32, #tpu.memory_space<vmem>>[vector<16xi32>], vector<16xi32>, vector<16xi1>
      %add3A_169 = arith.addi %add3A_146, %all_reduce_population_count3A_158 : vector<16xi32>
      %mul3A_170 = arith.constant 10 : i32
      %mul3A_171 = arith.muli %scan3A_59, %mul3A_170 : i32
      %add3A_172 = arith.constant 5 : i32
      %add3A_173 = arith.addi %mul3A_171, %add3A_172 : i32
      %mul3A_174 = arith.constant 16 : i32
      %mul3A_175 = arith.muli %add3A_173, %mul3A_174 : i32
      %get3A_176 = arith.index_cast %mul3A_175 : i32 to index
      %get3A_177 = tpu.vector_load %arg7[%get3A_176] {strides = array<i32>} : memref<20000xi32, #tpu.memory_space<vmem>>, vector<16xi32>,
      %gt3A_178 = arith.constant 0 : i32
      %gt3A_179 = vector.broadcast %gt3A_178 : i32 to vector<16xi32>
      %gt3A_180 = arith.cmpi sgt, %get3A_177, %gt3A_179 : vector<16xi32>
      %all_reduce_population_count3A_181 = tpu.all_reduce %gt3A_180 {dim = 0 : i64, kind = #tpu.reduction_kind<sum>} : vector<16xi1> -> vector<16xi32>
      %lt3A_182 = arith.cmpi slt, %iota3A, %all_reduce_population_count3A_181 : vector<16xi32>
      %add3A_183 = arith.addi %add3A_169, %iota3A : vector<16xi32>
      %lt3A_184 = arith.constant 1024 : i32
      %lt3A_185 = vector.broadcast %lt3A_184 : i32 to vector<16xi32>
      %lt3A_186 = arith.cmpi ult, %add3A_183, %lt3A_185 : vector<16xi32>
      %and3A_187 = arith.andi %lt3A_182, %lt3A_186 : vector<16xi1>
      %add3A_188 = arith.addi %add3A_169, %iota3A : vector<16xi32>
      %sub3A_189 = arith.constant 1 : i32
      %sub3A_190 = vector.broadcast %sub3A_189 : i32 to vector<16xi32>
      %sub3A_191 = arith.subi %get3A_177, %sub3A_190 : vector<16xi32>
      tpu.vector_store_idx %arg8[%add3A_188], %sub3A_191 masked %and3A_187 : memref<1024xi32, #tpu.memory_space<vmem>>[vector<16xi32>], vector<16xi32>, vector<16xi1>
      %add3A_192 = arith.addi %add3A_169, %all_reduce_population_count3A_181 : vector<16xi32>
      %mul3A_193 = arith.constant 10 : i32
      %mul3A_194 = arith.muli %scan3A_59, %mul3A_193 : i32
      %add3A_195 = arith.constant 6 : i32
      %add3A_196 = arith.addi %mul3A_194, %add3A_195 : i32
      %mul3A_197 = arith.constant 16 : i32
      %mul3A_198 = arith.muli %add3A_196, %mul3A_197 : i32
      %get3A_199 = arith.index_cast %mul3A_198 : i32 to index
      %get3A_200 = tpu.vector_load %arg7[%get3A_199] {strides = array<i32>} : memref<20000xi32, #tpu.memory_space<vmem>>, vector<16xi32>,
      %gt3A_201 = arith.constant 0 : i32
      %gt3A_202 = vector.broadcast %gt3A_201 : i32 to vector<16xi32>
      %gt3A_203 = arith.cmpi sgt, %get3A_200, %gt3A_202 : vector<16xi32>
      %all_reduce_population_count3A_204 = tpu.all_reduce %gt3A_203 {dim = 0 : i64, kind = #tpu.reduction_kind<sum>} : vector<16xi1> -> vector<16xi32>
      %lt3A_205 = arith.cmpi slt, %iota3A, %all_reduce_population_count3A_204 : vector<16xi32>
      %add3A_206 = arith.addi %add3A_192, %iota3A : vector<16xi32>
      %lt3A_207 = arith.constant 1024 : i32
      %lt3A_208 = vector.broadcast %lt3A_207 : i32 to vector<16xi32>
      %lt3A_209 = arith.cmpi ult, %add3A_206, %lt3A_208 : vector<16xi32>
      %and3A_210 = arith.andi %lt3A_205, %lt3A_209 : vector<16xi1>
      %add3A_211 = arith.addi %add3A_192, %iota3A : vector<16xi32>
      %sub3A_212 = arith.constant 1 : i32
      %sub3A_213 = vector.broadcast %sub3A_212 : i32 to vector<16xi32>
      %sub3A_214 = arith.subi %get3A_200, %sub3A_213 : vector<16xi32>
      tpu.vector_store_idx %arg8[%add3A_211], %sub3A_214 masked %and3A_210 : memref<1024xi32, #tpu.memory_space<vmem>>[vector<16xi32>], vector<16xi32>, vector<16xi1>
      %add3A_215 = arith.addi %add3A_192, %all_reduce_population_count3A_204 : vector<16xi32>
      %mul3A_216 = arith.constant 10 : i32
      %mul3A_217 = arith.muli %scan3A_59, %mul3A_216 : i32
      %add3A_218 = arith.constant 7 : i32
      %add3A_219 = arith.addi %mul3A_217, %add3A_218 : i32
      %mul3A_220 = arith.constant 16 : i32
      %mul3A_221 = arith.muli %add3A_219, %mul3A_220 : i32
      %get3A_222 = arith.index_cast %mul3A_221 : i32 to index
      %get3A_223 = tpu.vector_load %arg7[%get3A_222] {strides = array<i32>} : memref<20000xi32, #tpu.memory_space<vmem>>, vector<16xi32>,
      %gt3A_224 = arith.constant 0 : i32
      %gt3A_225 = vector.broadcast %gt3A_224 : i32 to vector<16xi32>
      %gt3A_226 = arith.cmpi sgt, %get3A_223, %gt3A_225 : vector<16xi32>
      %all_reduce_population_count3A_227 = tpu.all_reduce %gt3A_226 {dim = 0 : i64, kind = #tpu.reduction_kind<sum>} : vector<16xi1> -> vector<16xi32>
      %lt3A_228 = arith.cmpi slt, %iota3A, %all_reduce_population_count3A_227 : vector<16xi32>
      %add3A_229 = arith.addi %add3A_215, %iota3A : vector<16xi32>
      %lt3A_230 = arith.constant 1024 : i32
      %lt3A_231 = vector.broadcast %lt3A_230 : i32 to vector<16xi32>
      %lt3A_232 = arith.cmpi ult, %add3A_229, %lt3A_231 : vector<16xi32>
      %and3A_233 = arith.andi %lt3A_228, %lt3A_232 : vector<16xi1>
      %add3A_234 = arith.addi %add3A_215, %iota3A : vector<16xi32>
      %sub3A_235 = arith.constant 1 : i32
      %sub3A_236 = vector.broadcast %sub3A_235 : i32 to vector<16xi32>
      %sub3A_237 = arith.subi %get3A_223, %sub3A_236 : vector<16xi32>
      tpu.vector_store_idx %arg8[%add3A_234], %sub3A_237 masked %and3A_233 : memref<1024xi32, #tpu.memory_space<vmem>>[vector<16xi32>], vector<16xi32>, vector<16xi1>
      %add3A_238 = arith.addi %add3A_215, %all_reduce_population_count3A_227 : vector<16xi32>
      %mul3A_239 = arith.constant 10 : i32
      %mul3A_240 = arith.muli %scan3A_59, %mul3A_239 : i32
      %add3A_241 = arith.constant 8 : i32
      %add3A_242 = arith.addi %mul3A_240, %add3A_241 : i32
      %mul3A_243 = arith.constant 16 : i32
      %mul3A_244 = arith.muli %add3A_242, %mul3A_243 : i32
      %get3A_245 = arith.index_cast %mul3A_244 : i32 to index
      %get3A_246 = tpu.vector_load %arg7[%get3A_245] {strides = array<i32>} : memref<20000xi32, #tpu.memory_space<vmem>>, vector<16xi32>,
      %gt3A_247 = arith.constant 0 : i32
      %gt3A_248 = vector.broadcast %gt3A_247 : i32 to vector<16xi32>
      %gt3A_249 = arith.cmpi sgt, %get3A_246, %gt3A_248 : vector<16xi32>
      %all_reduce_population_count3A_250 = tpu.all_reduce %gt3A_249 {dim = 0 : i64, kind = #tpu.reduction_kind<sum>} : vector<16xi1> -> vector<16xi32>
      %lt3A_251 = arith.cmpi slt, %iota3A, %all_reduce_population_count3A_250 : vector<16xi32>
      %add3A_252 = arith.addi %add3A_238, %iota3A : vector<16xi32>
      %lt3A_253 = arith.constant 1024 : i32
      %lt3A_254 = vector.broadcast %lt3A_253 : i32 to vector<16xi32>
      %lt3A_255 = arith.cmpi ult, %add3A_252, %lt3A_254 : vector<16xi32>
      %and3A_256 = arith.andi %lt3A_251, %lt3A_255 : vector<16xi1>
      %add3A_257 = arith.addi %add3A_238, %iota3A : vector<16xi32>
      %sub3A_258 = arith.constant 1 : i32
      %sub3A_259 = vector.broadcast %sub3A_258 : i32 to vector<16xi32>
      %sub3A_260 = arith.subi %get3A_246, %sub3A_259 : vector<16xi32>
      tpu.vector_store_idx %arg8[%add3A_257], %sub3A_260 masked %and3A_256 : memref<1024xi32, #tpu.memory_space<vmem>>[vector<16xi32>], vector<16xi32>, vector<16xi1>
      %add3A_261 = arith.addi %add3A_238, %all_reduce_population_count3A_250 : vector<16xi32>
      %mul3A_262 = arith.constant 10 : i32
      %mul3A_263 = arith.muli %scan3A_59, %mul3A_262 : i32
      %add3A_264 = arith.constant 9 : i32
      %add3A_265 = arith.addi %mul3A_263, %add3A_264 : i32
      %mul3A_266 = arith.constant 16 : i32
      %mul3A_267 = arith.muli %add3A_265, %mul3A_266 : i32
      %get3A_268 = arith.index_cast %mul3A_267 : i32 to index
      %get3A_269 = tpu.vector_load %arg7[%get3A_268] {strides = array<i32>} : memref<20000xi32, #tpu.memory_space<vmem>>, vector<16xi32>,
      %gt3A_270 = arith.constant 0 : i32
      %gt3A_271 = vector.broadcast %gt3A_270 : i32 to vector<16xi32>
      %gt3A_272 = arith.cmpi sgt, %get3A_269, %gt3A_271 : vector<16xi32>
      %all_reduce_population_count3A_273 = tpu.all_reduce %gt3A_272 {dim = 0 : i64, kind = #tpu.reduction_kind<sum>} : vector<16xi1> -> vector<16xi32>
      %lt3A_274 = arith.cmpi slt, %iota3A, %all_reduce_population_count3A_273 : vector<16xi32>
      %add3A_275 = arith.addi %add3A_261, %iota3A : vector<16xi32>
      %lt3A_276 = arith.constant 1024 : i32
      %lt3A_277 = vector.broadcast %lt3A_276 : i32 to vector<16xi32>
      %lt3A_278 = arith.cmpi ult, %add3A_275, %lt3A_277 : vector<16xi32>
      %and3A_279 = arith.andi %lt3A_274, %lt3A_278 : vector<16xi1>
      %add3A_280 = arith.addi %add3A_261, %iota3A : vector<16xi32>
      %sub3A_281 = arith.constant 1 : i32
      %sub3A_282 = vector.broadcast %sub3A_281 : i32 to vector<16xi32>
      %sub3A_283 = arith.subi %get3A_269, %sub3A_282 : vector<16xi32>
      tpu.vector_store_idx %arg8[%add3A_280], %sub3A_283 masked %and3A_279 : memref<1024xi32, #tpu.memory_space<vmem>>[vector<16xi32>], vector<16xi32>, vector<16xi1>
      %add3A_284 = arith.addi %add3A_261, %all_reduce_population_count3A_273 : vector<16xi32>
      scf.yield %add3A_284 : vector<16xi32>
    }
    %scan3A_48 = arith.constant 125 : i32
    %broadcast_in_dim3A_49 = arith.constant 1.000000e+00 : f32
    %broadcast_in_dim3A_50 = vector.broadcast %broadcast_in_dim3A_49 : f32 to vector<16xf32>
    %scan3A_51 = arith.constant 0 : i32
    %scan3A_52 = arith.constant 0 : i32
    %scan3A_53 = arith.constant 8 : i32
    %scan3A_54 = arith.addi %scan3A_52, %scan3A_53 : i32
    %scan3A_55 = arith.constant 1 : i32
    scf.for %scan3A_59 = %scan3A_52 to %scan3A_54 step %scan3A_55  : i32 {
      %mul3A_60 = arith.constant 8 : i32
      %mul3A_61 = arith.muli %scan3A_59, %mul3A_60 : i32
      %add3A_62 = arith.constant 0 : i32
      %add3A_63 = arith.addi %mul3A_61, %add3A_62 : i32
      %mul3A_64 = arith.constant 16 : i32
      %mul3A_65 = arith.muli %add3A_63, %mul3A_64 : i32
      %add3A_66 = vector.broadcast %mul3A_65 : i32 to vector<16xi32>
      %add3A_67 = arith.addi %add3A_66, %iota3A : vector<16xi32>
      %lt3A = arith.cmpi slt, %add3A_67, %scan3A_47 : vector<16xi32>
      %mul3A_68 = arith.constant 16 : i32
      %mul3A_69 = arith.muli %add3A_63, %mul3A_68 : i32
      %get3A = arith.index_cast %mul3A_69 : i32 to index
      %get3A_70 = tpu.vector_load %arg8[%get3A] {strides = array<i32>} : memref<1024xi32, #tpu.memory_space<vmem>>, vector<16xi32>,
      %gather3A = tpu.vector_load_idx %arg6[%get3A_70] masked %lt3A : memref<80000xf32, #tpu.memory_space<vmem>>[vector<16xi32>], vector<16xf32>, vector<16xi1>
      %add3A_71 = arith.constant 20000 : i32
      %add3A_72 = vector.broadcast %add3A_71 : i32 to vector<16xi32>
      %add3A_73 = arith.addi %get3A_70, %add3A_72 : vector<16xi32>
      %gather3A_74 = tpu.vector_load_idx %arg6[%add3A_73] masked %lt3A : memref<80000xf32, #tpu.memory_space<vmem>>[vector<16xi32>], vector<16xf32>, vector<16xi1>
      %add3A_75 = arith.constant 40000 : i32
      %add3A_76 = vector.broadcast %add3A_75 : i32 to vector<16xi32>
      %add3A_77 = arith.addi %get3A_70, %add3A_76 : vector<16xi32>
      %gather3A_78 = tpu.vector_load_idx %arg6[%add3A_77] masked %lt3A : memref<80000xf32, #tpu.memory_space<vmem>>[vector<16xi32>], vector<16xf32>, vector<16xi1>
      %add3A_79 = arith.constant 60000 : i32
      %add3A_80 = vector.broadcast %add3A_79 : i32 to vector<16xi32>
      %add3A_81 = arith.addi %get3A_70, %add3A_80 : vector<16xi32>
      %gather3A_82 = tpu.vector_load_idx %arg6[%add3A_81] masked %lt3A : memref<80000xf32, #tpu.memory_space<vmem>>[vector<16xi32>], vector<16xf32>, vector<16xi1>
      %mul3A_83 = arith.constant 5.120000e+02 : f32
      %mul3A_84 = vector.broadcast %mul3A_83 : f32 to vector<16xf32>
      %mul3A_85 = arith.mulf %gather3A, %mul3A_84 : vector<16xf32>
      %convert_element_type3A_86 = arith.fptosi %mul3A_85 : vector<16xf32> to vector<16xi32>
      %mul3A_87 = arith.constant 5.120000e+02 : f32
      %mul3A_88 = vector.broadcast %mul3A_87 : f32 to vector<16xf32>
      %mul3A_89 = arith.mulf %gather3A_74, %mul3A_88 : vector<16xf32>
      %convert_element_type3A_90 = arith.fptosi %mul3A_89 : vector<16xf32> to vector<16xi32>
      %mul3A_91 = arith.constant 512 : i32
      %mul3A_92 = vector.broadcast %mul3A_91 : i32 to vector<16xi32>
      %mul3A_93 = arith.muli %convert_element_type3A_90, %mul3A_92 : vector<16xi32>
      %add3A_94 = arith.addi %mul3A_93, %convert_element_type3A_86 : vector<16xi32>
      %sub3A = vector.broadcast %mul3A_4 : i32 to vector<16xi32>
      %sub3A_95 = arith.subi %add3A_94, %sub3A : vector<16xi32>
      tpu.vector_store_idx %arg9[%sub3A_95], %broadcast_in_dim3A_50 masked %lt3A : memref<8192xf32, #tpu.memory_space<vmem>>[vector<16xi32>], vector<16xf32>, vector<16xi1>
      tpu.vector_store_idx %arg10[%sub3A_95], %gather3A_78 masked %lt3A : memref<16384xf32, #tpu.memory_space<vmem>>[vector<16xi32>], vector<16xf32>, vector<16xi1>
      %add3A_96 = arith.constant 8192 : i32
      %add3A_97 = vector.broadcast %add3A_96 : i32 to vector<16xi32>
      %add3A_98 = arith.addi %sub3A_95, %add3A_97 : vector<16xi32>
      tpu.vector_store_idx %arg10[%add3A_98], %gather3A_82 masked %lt3A : memref<16384xf32, #tpu.memory_space<vmem>>[vector<16xi32>], vector<16xf32>, vector<16xi1>
      %mul3A_99 = arith.constant 8 : i32
      %mul3A_100 = arith.muli %scan3A_59, %mul3A_99 : i32
      %add3A_101 = arith.constant 1 : i32
      %add3A_102 = arith.addi %mul3A_100, %add3A_101 : i32
      %mul3A_103 = arith.constant 16 : i32
      %mul3A_104 = arith.muli %add3A_102, %mul3A_103 : i32
      %add3A_105 = vector.broadcast %mul3A_104 : i32 to vector<16xi32>
      %add3A_106 = arith.addi %add3A_105, %iota3A : vector<16xi32>
      %lt3A_107 = arith.cmpi slt, %add3A_106, %scan3A_47 : vector<16xi32>
      %mul3A_108 = arith.constant 16 : i32
      %mul3A_109 = arith.muli %add3A_102, %mul3A_108 : i32
      %get3A_110 = arith.index_cast %mul3A_109 : i32 to index
      %get3A_111 = tpu.vector_load %arg8[%get3A_110] {strides = array<i32>} : memref<1024xi32, #tpu.memory_space<vmem>>, vector<16xi32>,
      %gather3A_112 = tpu.vector_load_idx %arg6[%get3A_111] masked %lt3A_107 : memref<80000xf32, #tpu.memory_space<vmem>>[vector<16xi32>], vector<16xf32>, vector<16xi1>
      %add3A_113 = arith.constant 20000 : i32
      %add3A_114 = vector.broadcast %add3A_113 : i32 to vector<16xi32>
      %add3A_115 = arith.addi %get3A_111, %add3A_114 : vector<16xi32>
      %gather3A_116 = tpu.vector_load_idx %arg6[%add3A_115] masked %lt3A_107 : memref<80000xf32, #tpu.memory_space<vmem>>[vector<16xi32>], vector<16xf32>, vector<16xi1>
      %add3A_117 = arith.constant 40000 : i32
      %add3A_118 = vector.broadcast %add3A_117 : i32 to vector<16xi32>
      %add3A_119 = arith.addi %get3A_111, %add3A_118 : vector<16xi32>
      %gather3A_120 = tpu.vector_load_idx %arg6[%add3A_119] masked %lt3A_107 : memref<80000xf32, #tpu.memory_space<vmem>>[vector<16xi32>], vector<16xf32>, vector<16xi1>
      %add3A_121 = arith.constant 60000 : i32
      %add3A_122 = vector.broadcast %add3A_121 : i32 to vector<16xi32>
      %add3A_123 = arith.addi %get3A_111, %add3A_122 : vector<16xi32>
      %gather3A_124 = tpu.vector_load_idx %arg6[%add3A_123] masked %lt3A_107 : memref<80000xf32, #tpu.memory_space<vmem>>[vector<16xi32>], vector<16xf32>, vector<16xi1>
      %mul3A_125 = arith.constant 5.120000e+02 : f32
      %mul3A_126 = vector.broadcast %mul3A_125 : f32 to vector<16xf32>
      %mul3A_127 = arith.mulf %gather3A_112, %mul3A_126 : vector<16xf32>
      %convert_element_type3A_128 = arith.fptosi %mul3A_127 : vector<16xf32> to vector<16xi32>
      %mul3A_129 = arith.constant 5.120000e+02 : f32
      %mul3A_130 = vector.broadcast %mul3A_129 : f32 to vector<16xf32>
      %mul3A_131 = arith.mulf %gather3A_116, %mul3A_130 : vector<16xf32>
      %convert_element_type3A_132 = arith.fptosi %mul3A_131 : vector<16xf32> to vector<16xi32>
      %mul3A_133 = arith.constant 512 : i32
      %mul3A_134 = vector.broadcast %mul3A_133 : i32 to vector<16xi32>
      %mul3A_135 = arith.muli %convert_element_type3A_132, %mul3A_134 : vector<16xi32>
      %add3A_136 = arith.addi %mul3A_135, %convert_element_type3A_128 : vector<16xi32>
      %sub3A_137 = vector.broadcast %mul3A_4 : i32 to vector<16xi32>
      %sub3A_138 = arith.subi %add3A_136, %sub3A_137 : vector<16xi32>
      tpu.vector_store_idx %arg9[%sub3A_138], %broadcast_in_dim3A_50 masked %lt3A_107 : memref<8192xf32, #tpu.memory_space<vmem>>[vector<16xi32>], vector<16xf32>, vector<16xi1>
      tpu.vector_store_idx %arg10[%sub3A_138], %gather3A_120 masked %lt3A_107 : memref<16384xf32, #tpu.memory_space<vmem>>[vector<16xi32>], vector<16xf32>, vector<16xi1>
      %add3A_139 = arith.constant 8192 : i32
      %add3A_140 = vector.broadcast %add3A_139 : i32 to vector<16xi32>
      %add3A_141 = arith.addi %sub3A_138, %add3A_140 : vector<16xi32>
      tpu.vector_store_idx %arg10[%add3A_141], %gather3A_124 masked %lt3A_107 : memref<16384xf32, #tpu.memory_space<vmem>>[vector<16xi32>], vector<16xf32>, vector<16xi1>
      %mul3A_142 = arith.constant 8 : i32
      %mul3A_143 = arith.muli %scan3A_59, %mul3A_142 : i32
      %add3A_144 = arith.constant 2 : i32
      %add3A_145 = arith.addi %mul3A_143, %add3A_144 : i32
      %mul3A_146 = arith.constant 16 : i32
      %mul3A_147 = arith.muli %add3A_145, %mul3A_146 : i32
      %add3A_148 = vector.broadcast %mul3A_147 : i32 to vector<16xi32>
      %add3A_149 = arith.addi %add3A_148, %iota3A : vector<16xi32>
      %lt3A_150 = arith.cmpi slt, %add3A_149, %scan3A_47 : vector<16xi32>
      %mul3A_151 = arith.constant 16 : i32
      %mul3A_152 = arith.muli %add3A_145, %mul3A_151 : i32
      %get3A_153 = arith.index_cast %mul3A_152 : i32 to index
      %get3A_154 = tpu.vector_load %arg8[%get3A_153] {strides = array<i32>} : memref<1024xi32, #tpu.memory_space<vmem>>, vector<16xi32>,
      %gather3A_155 = tpu.vector_load_idx %arg6[%get3A_154] masked %lt3A_150 : memref<80000xf32, #tpu.memory_space<vmem>>[vector<16xi32>], vector<16xf32>, vector<16xi1>
      %add3A_156 = arith.constant 20000 : i32
      %add3A_157 = vector.broadcast %add3A_156 : i32 to vector<16xi32>
      %add3A_158 = arith.addi %get3A_154, %add3A_157 : vector<16xi32>
      %gather3A_159 = tpu.vector_load_idx %arg6[%add3A_158] masked %lt3A_150 : memref<80000xf32, #tpu.memory_space<vmem>>[vector<16xi32>], vector<16xf32>, vector<16xi1>
      %add3A_160 = arith.constant 40000 : i32
      %add3A_161 = vector.broadcast %add3A_160 : i32 to vector<16xi32>
      %add3A_162 = arith.addi %get3A_154, %add3A_161 : vector<16xi32>
      %gather3A_163 = tpu.vector_load_idx %arg6[%add3A_162] masked %lt3A_150 : memref<80000xf32, #tpu.memory_space<vmem>>[vector<16xi32>], vector<16xf32>, vector<16xi1>
      %add3A_164 = arith.constant 60000 : i32
      %add3A_165 = vector.broadcast %add3A_164 : i32 to vector<16xi32>
      %add3A_166 = arith.addi %get3A_154, %add3A_165 : vector<16xi32>
      %gather3A_167 = tpu.vector_load_idx %arg6[%add3A_166] masked %lt3A_150 : memref<80000xf32, #tpu.memory_space<vmem>>[vector<16xi32>], vector<16xf32>, vector<16xi1>
      %mul3A_168 = arith.constant 5.120000e+02 : f32
      %mul3A_169 = vector.broadcast %mul3A_168 : f32 to vector<16xf32>
      %mul3A_170 = arith.mulf %gather3A_155, %mul3A_169 : vector<16xf32>
      %convert_element_type3A_171 = arith.fptosi %mul3A_170 : vector<16xf32> to vector<16xi32>
      %mul3A_172 = arith.constant 5.120000e+02 : f32
      %mul3A_173 = vector.broadcast %mul3A_172 : f32 to vector<16xf32>
      %mul3A_174 = arith.mulf %gather3A_159, %mul3A_173 : vector<16xf32>
      %convert_element_type3A_175 = arith.fptosi %mul3A_174 : vector<16xf32> to vector<16xi32>
      %mul3A_176 = arith.constant 512 : i32
      %mul3A_177 = vector.broadcast %mul3A_176 : i32 to vector<16xi32>
      %mul3A_178 = arith.muli %convert_element_type3A_175, %mul3A_177 : vector<16xi32>
      %add3A_179 = arith.addi %mul3A_178, %convert_element_type3A_171 : vector<16xi32>
      %sub3A_180 = vector.broadcast %mul3A_4 : i32 to vector<16xi32>
      %sub3A_181 = arith.subi %add3A_179, %sub3A_180 : vector<16xi32>
      tpu.vector_store_idx %arg9[%sub3A_181], %broadcast_in_dim3A_50 masked %lt3A_150 : memref<8192xf32, #tpu.memory_space<vmem>>[vector<16xi32>], vector<16xf32>, vector<16xi1>
      tpu.vector_store_idx %arg10[%sub3A_181], %gather3A_163 masked %lt3A_150 : memref<16384xf32, #tpu.memory_space<vmem>>[vector<16xi32>], vector<16xf32>, vector<16xi1>
      %add3A_182 = arith.constant 8192 : i32
      %add3A_183 = vector.broadcast %add3A_182 : i32 to vector<16xi32>
      %add3A_184 = arith.addi %sub3A_181, %add3A_183 : vector<16xi32>
      tpu.vector_store_idx %arg10[%add3A_184], %gather3A_167 masked %lt3A_150 : memref<16384xf32, #tpu.memory_space<vmem>>[vector<16xi32>], vector<16xf32>, vector<16xi1>
      %mul3A_185 = arith.constant 8 : i32
      %mul3A_186 = arith.muli %scan3A_59, %mul3A_185 : i32
      %add3A_187 = arith.constant 3 : i32
      %add3A_188 = arith.addi %mul3A_186, %add3A_187 : i32
      %mul3A_189 = arith.constant 16 : i32
      %mul3A_190 = arith.muli %add3A_188, %mul3A_189 : i32
      %add3A_191 = vector.broadcast %mul3A_190 : i32 to vector<16xi32>
      %add3A_192 = arith.addi %add3A_191, %iota3A : vector<16xi32>
      %lt3A_193 = arith.cmpi slt, %add3A_192, %scan3A_47 : vector<16xi32>
      %mul3A_194 = arith.constant 16 : i32
      %mul3A_195 = arith.muli %add3A_188, %mul3A_194 : i32
      %get3A_196 = arith.index_cast %mul3A_195 : i32 to index
      %get3A_197 = tpu.vector_load %arg8[%get3A_196] {strides = array<i32>} : memref<1024xi32, #tpu.memory_space<vmem>>, vector<16xi32>,
      %gather3A_198 = tpu.vector_load_idx %arg6[%get3A_197] masked %lt3A_193 : memref<80000xf32, #tpu.memory_space<vmem>>[vector<16xi32>], vector<16xf32>, vector<16xi1>
      %add3A_199 = arith.constant 20000 : i32
      %add3A_200 = vector.broadcast %add3A_199 : i32 to vector<16xi32>
      %add3A_201 = arith.addi %get3A_197, %add3A_200 : vector<16xi32>
      %gather3A_202 = tpu.vector_load_idx %arg6[%add3A_201] masked %lt3A_193 : memref<80000xf32, #tpu.memory_space<vmem>>[vector<16xi32>], vector<16xf32>, vector<16xi1>
      %add3A_203 = arith.constant 40000 : i32
      %add3A_204 = vector.broadcast %add3A_203 : i32 to vector<16xi32>
      %add3A_205 = arith.addi %get3A_197, %add3A_204 : vector<16xi32>
      %gather3A_206 = tpu.vector_load_idx %arg6[%add3A_205] masked %lt3A_193 : memref<80000xf32, #tpu.memory_space<vmem>>[vector<16xi32>], vector<16xf32>, vector<16xi1>
      %add3A_207 = arith.constant 60000 : i32
      %add3A_208 = vector.broadcast %add3A_207 : i32 to vector<16xi32>
      %add3A_209 = arith.addi %get3A_197, %add3A_208 : vector<16xi32>
      %gather3A_210 = tpu.vector_load_idx %arg6[%add3A_209] masked %lt3A_193 : memref<80000xf32, #tpu.memory_space<vmem>>[vector<16xi32>], vector<16xf32>, vector<16xi1>
      %mul3A_211 = arith.constant 5.120000e+02 : f32
      %mul3A_212 = vector.broadcast %mul3A_211 : f32 to vector<16xf32>
      %mul3A_213 = arith.mulf %gather3A_198, %mul3A_212 : vector<16xf32>
      %convert_element_type3A_214 = arith.fptosi %mul3A_213 : vector<16xf32> to vector<16xi32>
      %mul3A_215 = arith.constant 5.120000e+02 : f32
      %mul3A_216 = vector.broadcast %mul3A_215 : f32 to vector<16xf32>
      %mul3A_217 = arith.mulf %gather3A_202, %mul3A_216 : vector<16xf32>
      %convert_element_type3A_218 = arith.fptosi %mul3A_217 : vector<16xf32> to vector<16xi32>
      %mul3A_219 = arith.constant 512 : i32
      %mul3A_220 = vector.broadcast %mul3A_219 : i32 to vector<16xi32>
      %mul3A_221 = arith.muli %convert_element_type3A_218, %mul3A_220 : vector<16xi32>
      %add3A_222 = arith.addi %mul3A_221, %convert_element_type3A_214 : vector<16xi32>
      %sub3A_223 = vector.broadcast %mul3A_4 : i32 to vector<16xi32>
      %sub3A_224 = arith.subi %add3A_222, %sub3A_223 : vector<16xi32>
      tpu.vector_store_idx %arg9[%sub3A_224], %broadcast_in_dim3A_50 masked %lt3A_193 : memref<8192xf32, #tpu.memory_space<vmem>>[vector<16xi32>], vector<16xf32>, vector<16xi1>
      tpu.vector_store_idx %arg10[%sub3A_224], %gather3A_206 masked %lt3A_193 : memref<16384xf32, #tpu.memory_space<vmem>>[vector<16xi32>], vector<16xf32>, vector<16xi1>
      %add3A_225 = arith.constant 8192 : i32
      %add3A_226 = vector.broadcast %add3A_225 : i32 to vector<16xi32>
      %add3A_227 = arith.addi %sub3A_224, %add3A_226 : vector<16xi32>
      tpu.vector_store_idx %arg10[%add3A_227], %gather3A_210 masked %lt3A_193 : memref<16384xf32, #tpu.memory_space<vmem>>[vector<16xi32>], vector<16xf32>, vector<16xi1>
      %mul3A_228 = arith.constant 8 : i32
      %mul3A_229 = arith.muli %scan3A_59, %mul3A_228 : i32
      %add3A_230 = arith.constant 4 : i32
      %add3A_231 = arith.addi %mul3A_229, %add3A_230 : i32
      %mul3A_232 = arith.constant 16 : i32
      %mul3A_233 = arith.muli %add3A_231, %mul3A_232 : i32
      %add3A_234 = vector.broadcast %mul3A_233 : i32 to vector<16xi32>
      %add3A_235 = arith.addi %add3A_234, %iota3A : vector<16xi32>
      %lt3A_236 = arith.cmpi slt, %add3A_235, %scan3A_47 : vector<16xi32>
      %mul3A_237 = arith.constant 16 : i32
      %mul3A_238 = arith.muli %add3A_231, %mul3A_237 : i32
      %get3A_239 = arith.index_cast %mul3A_238 : i32 to index
      %get3A_240 = tpu.vector_load %arg8[%get3A_239] {strides = array<i32>} : memref<1024xi32, #tpu.memory_space<vmem>>, vector<16xi32>,
      %gather3A_241 = tpu.vector_load_idx %arg6[%get3A_240] masked %lt3A_236 : memref<80000xf32, #tpu.memory_space<vmem>>[vector<16xi32>], vector<16xf32>, vector<16xi1>
      %add3A_242 = arith.constant 20000 : i32
      %add3A_243 = vector.broadcast %add3A_242 : i32 to vector<16xi32>
      %add3A_244 = arith.addi %get3A_240, %add3A_243 : vector<16xi32>
      %gather3A_245 = tpu.vector_load_idx %arg6[%add3A_244] masked %lt3A_236 : memref<80000xf32, #tpu.memory_space<vmem>>[vector<16xi32>], vector<16xf32>, vector<16xi1>
      %add3A_246 = arith.constant 40000 : i32
      %add3A_247 = vector.broadcast %add3A_246 : i32 to vector<16xi32>
      %add3A_248 = arith.addi %get3A_240, %add3A_247 : vector<16xi32>
      %gather3A_249 = tpu.vector_load_idx %arg6[%add3A_248] masked %lt3A_236 : memref<80000xf32, #tpu.memory_space<vmem>>[vector<16xi32>], vector<16xf32>, vector<16xi1>
      %add3A_250 = arith.constant 60000 : i32
      %add3A_251 = vector.broadcast %add3A_250 : i32 to vector<16xi32>
      %add3A_252 = arith.addi %get3A_240, %add3A_251 : vector<16xi32>
      %gather3A_253 = tpu.vector_load_idx %arg6[%add3A_252] masked %lt3A_236 : memref<80000xf32, #tpu.memory_space<vmem>>[vector<16xi32>], vector<16xf32>, vector<16xi1>
      %mul3A_254 = arith.constant 5.120000e+02 : f32
      %mul3A_255 = vector.broadcast %mul3A_254 : f32 to vector<16xf32>
      %mul3A_256 = arith.mulf %gather3A_241, %mul3A_255 : vector<16xf32>
      %convert_element_type3A_257 = arith.fptosi %mul3A_256 : vector<16xf32> to vector<16xi32>
      %mul3A_258 = arith.constant 5.120000e+02 : f32
      %mul3A_259 = vector.broadcast %mul3A_258 : f32 to vector<16xf32>
      %mul3A_260 = arith.mulf %gather3A_245, %mul3A_259 : vector<16xf32>
      %convert_element_type3A_261 = arith.fptosi %mul3A_260 : vector<16xf32> to vector<16xi32>
      %mul3A_262 = arith.constant 512 : i32
      %mul3A_263 = vector.broadcast %mul3A_262 : i32 to vector<16xi32>
      %mul3A_264 = arith.muli %convert_element_type3A_261, %mul3A_263 : vector<16xi32>
      %add3A_265 = arith.addi %mul3A_264, %convert_element_type3A_257 : vector<16xi32>
      %sub3A_266 = vector.broadcast %mul3A_4 : i32 to vector<16xi32>
      %sub3A_267 = arith.subi %add3A_265, %sub3A_266 : vector<16xi32>
      tpu.vector_store_idx %arg9[%sub3A_267], %broadcast_in_dim3A_50 masked %lt3A_236 : memref<8192xf32, #tpu.memory_space<vmem>>[vector<16xi32>], vector<16xf32>, vector<16xi1>
      tpu.vector_store_idx %arg10[%sub3A_267], %gather3A_249 masked %lt3A_236 : memref<16384xf32, #tpu.memory_space<vmem>>[vector<16xi32>], vector<16xf32>, vector<16xi1>
      %add3A_268 = arith.constant 8192 : i32
      %add3A_269 = vector.broadcast %add3A_268 : i32 to vector<16xi32>
      %add3A_270 = arith.addi %sub3A_267, %add3A_269 : vector<16xi32>
      tpu.vector_store_idx %arg10[%add3A_270], %gather3A_253 masked %lt3A_236 : memref<16384xf32, #tpu.memory_space<vmem>>[vector<16xi32>], vector<16xf32>, vector<16xi1>
      %mul3A_271 = arith.constant 8 : i32
      %mul3A_272 = arith.muli %scan3A_59, %mul3A_271 : i32
      %add3A_273 = arith.constant 5 : i32
      %add3A_274 = arith.addi %mul3A_272, %add3A_273 : i32
      %mul3A_275 = arith.constant 16 : i32
      %mul3A_276 = arith.muli %add3A_274, %mul3A_275 : i32
      %add3A_277 = vector.broadcast %mul3A_276 : i32 to vector<16xi32>
      %add3A_278 = arith.addi %add3A_277, %iota3A : vector<16xi32>
      %lt3A_279 = arith.cmpi slt, %add3A_278, %scan3A_47 : vector<16xi32>
      %mul3A_280 = arith.constant 16 : i32
      %mul3A_281 = arith.muli %add3A_274, %mul3A_280 : i32
      %get3A_282 = arith.index_cast %mul3A_281 : i32 to index
      %get3A_283 = tpu.vector_load %arg8[%get3A_282] {strides = array<i32>} : memref<1024xi32, #tpu.memory_space<vmem>>, vector<16xi32>,
      %gather3A_284 = tpu.vector_load_idx %arg6[%get3A_283] masked %lt3A_279 : memref<80000xf32, #tpu.memory_space<vmem>>[vector<16xi32>], vector<16xf32>, vector<16xi1>
      %add3A_285 = arith.constant 20000 : i32
      %add3A_286 = vector.broadcast %add3A_285 : i32 to vector<16xi32>
      %add3A_287 = arith.addi %get3A_283, %add3A_286 : vector<16xi32>
      %gather3A_288 = tpu.vector_load_idx %arg6[%add3A_287] masked %lt3A_279 : memref<80000xf32, #tpu.memory_space<vmem>>[vector<16xi32>], vector<16xf32>, vector<16xi1>
      %add3A_289 = arith.constant 40000 : i32
      %add3A_290 = vector.broadcast %add3A_289 : i32 to vector<16xi32>
      %add3A_291 = arith.addi %get3A_283, %add3A_290 : vector<16xi32>
      %gather3A_292 = tpu.vector_load_idx %arg6[%add3A_291] masked %lt3A_279 : memref<80000xf32, #tpu.memory_space<vmem>>[vector<16xi32>], vector<16xf32>, vector<16xi1>
      %add3A_293 = arith.constant 60000 : i32
      %add3A_294 = vector.broadcast %add3A_293 : i32 to vector<16xi32>
      %add3A_295 = arith.addi %get3A_283, %add3A_294 : vector<16xi32>
      %gather3A_296 = tpu.vector_load_idx %arg6[%add3A_295] masked %lt3A_279 : memref<80000xf32, #tpu.memory_space<vmem>>[vector<16xi32>], vector<16xf32>, vector<16xi1>
      %mul3A_297 = arith.constant 5.120000e+02 : f32
      %mul3A_298 = vector.broadcast %mul3A_297 : f32 to vector<16xf32>
      %mul3A_299 = arith.mulf %gather3A_284, %mul3A_298 : vector<16xf32>
      %convert_element_type3A_300 = arith.fptosi %mul3A_299 : vector<16xf32> to vector<16xi32>
      %mul3A_301 = arith.constant 5.120000e+02 : f32
      %mul3A_302 = vector.broadcast %mul3A_301 : f32 to vector<16xf32>
      %mul3A_303 = arith.mulf %gather3A_288, %mul3A_302 : vector<16xf32>
      %convert_element_type3A_304 = arith.fptosi %mul3A_303 : vector<16xf32> to vector<16xi32>
      %mul3A_305 = arith.constant 512 : i32
      %mul3A_306 = vector.broadcast %mul3A_305 : i32 to vector<16xi32>
      %mul3A_307 = arith.muli %convert_element_type3A_304, %mul3A_306 : vector<16xi32>
      %add3A_308 = arith.addi %mul3A_307, %convert_element_type3A_300 : vector<16xi32>
      %sub3A_309 = vector.broadcast %mul3A_4 : i32 to vector<16xi32>
      %sub3A_310 = arith.subi %add3A_308, %sub3A_309 : vector<16xi32>
      tpu.vector_store_idx %arg9[%sub3A_310], %broadcast_in_dim3A_50 masked %lt3A_279 : memref<8192xf32, #tpu.memory_space<vmem>>[vector<16xi32>], vector<16xf32>, vector<16xi1>
      tpu.vector_store_idx %arg10[%sub3A_310], %gather3A_292 masked %lt3A_279 : memref<16384xf32, #tpu.memory_space<vmem>>[vector<16xi32>], vector<16xf32>, vector<16xi1>
      %add3A_311 = arith.constant 8192 : i32
      %add3A_312 = vector.broadcast %add3A_311 : i32 to vector<16xi32>
      %add3A_313 = arith.addi %sub3A_310, %add3A_312 : vector<16xi32>
      tpu.vector_store_idx %arg10[%add3A_313], %gather3A_296 masked %lt3A_279 : memref<16384xf32, #tpu.memory_space<vmem>>[vector<16xi32>], vector<16xf32>, vector<16xi1>
      %mul3A_314 = arith.constant 8 : i32
      %mul3A_315 = arith.muli %scan3A_59, %mul3A_314 : i32
      %add3A_316 = arith.constant 6 : i32
      %add3A_317 = arith.addi %mul3A_315, %add3A_316 : i32
      %mul3A_318 = arith.constant 16 : i32
      %mul3A_319 = arith.muli %add3A_317, %mul3A_318 : i32
      %add3A_320 = vector.broadcast %mul3A_319 : i32 to vector<16xi32>
      %add3A_321 = arith.addi %add3A_320, %iota3A : vector<16xi32>
      %lt3A_322 = arith.cmpi slt, %add3A_321, %scan3A_47 : vector<16xi32>
      %mul3A_323 = arith.constant 16 : i32
      %mul3A_324 = arith.muli %add3A_317, %mul3A_323 : i32
      %get3A_325 = arith.index_cast %mul3A_324 : i32 to index
      %get3A_326 = tpu.vector_load %arg8[%get3A_325] {strides = array<i32>} : memref<1024xi32, #tpu.memory_space<vmem>>, vector<16xi32>,
      %gather3A_327 = tpu.vector_load_idx %arg6[%get3A_326] masked %lt3A_322 : memref<80000xf32, #tpu.memory_space<vmem>>[vector<16xi32>], vector<16xf32>, vector<16xi1>
      %add3A_328 = arith.constant 20000 : i32
      %add3A_329 = vector.broadcast %add3A_328 : i32 to vector<16xi32>
      %add3A_330 = arith.addi %get3A_326, %add3A_329 : vector<16xi32>
      %gather3A_331 = tpu.vector_load_idx %arg6[%add3A_330] masked %lt3A_322 : memref<80000xf32, #tpu.memory_space<vmem>>[vector<16xi32>], vector<16xf32>, vector<16xi1>
      %add3A_332 = arith.constant 40000 : i32
      %add3A_333 = vector.broadcast %add3A_332 : i32 to vector<16xi32>
      %add3A_334 = arith.addi %get3A_326, %add3A_333 : vector<16xi32>
      %gather3A_335 = tpu.vector_load_idx %arg6[%add3A_334] masked %lt3A_322 : memref<80000xf32, #tpu.memory_space<vmem>>[vector<16xi32>], vector<16xf32>, vector<16xi1>
      %add3A_336 = arith.constant 60000 : i32
      %add3A_337 = vector.broadcast %add3A_336 : i32 to vector<16xi32>
      %add3A_338 = arith.addi %get3A_326, %add3A_337 : vector<16xi32>
      %gather3A_339 = tpu.vector_load_idx %arg6[%add3A_338] masked %lt3A_322 : memref<80000xf32, #tpu.memory_space<vmem>>[vector<16xi32>], vector<16xf32>, vector<16xi1>
      %mul3A_340 = arith.constant 5.120000e+02 : f32
      %mul3A_341 = vector.broadcast %mul3A_340 : f32 to vector<16xf32>
      %mul3A_342 = arith.mulf %gather3A_327, %mul3A_341 : vector<16xf32>
      %convert_element_type3A_343 = arith.fptosi %mul3A_342 : vector<16xf32> to vector<16xi32>
      %mul3A_344 = arith.constant 5.120000e+02 : f32
      %mul3A_345 = vector.broadcast %mul3A_344 : f32 to vector<16xf32>
      %mul3A_346 = arith.mulf %gather3A_331, %mul3A_345 : vector<16xf32>
      %convert_element_type3A_347 = arith.fptosi %mul3A_346 : vector<16xf32> to vector<16xi32>
      %mul3A_348 = arith.constant 512 : i32
      %mul3A_349 = vector.broadcast %mul3A_348 : i32 to vector<16xi32>
      %mul3A_350 = arith.muli %convert_element_type3A_347, %mul3A_349 : vector<16xi32>
      %add3A_351 = arith.addi %mul3A_350, %convert_element_type3A_343 : vector<16xi32>
      %sub3A_352 = vector.broadcast %mul3A_4 : i32 to vector<16xi32>
      %sub3A_353 = arith.subi %add3A_351, %sub3A_352 : vector<16xi32>
      tpu.vector_store_idx %arg9[%sub3A_353], %broadcast_in_dim3A_50 masked %lt3A_322 : memref<8192xf32, #tpu.memory_space<vmem>>[vector<16xi32>], vector<16xf32>, vector<16xi1>
      tpu.vector_store_idx %arg10[%sub3A_353], %gather3A_335 masked %lt3A_322 : memref<16384xf32, #tpu.memory_space<vmem>>[vector<16xi32>], vector<16xf32>, vector<16xi1>
      %add3A_354 = arith.constant 8192 : i32
      %add3A_355 = vector.broadcast %add3A_354 : i32 to vector<16xi32>
      %add3A_356 = arith.addi %sub3A_353, %add3A_355 : vector<16xi32>
      tpu.vector_store_idx %arg10[%add3A_356], %gather3A_339 masked %lt3A_322 : memref<16384xf32, #tpu.memory_space<vmem>>[vector<16xi32>], vector<16xf32>, vector<16xi1>
      %mul3A_357 = arith.constant 8 : i32
      %mul3A_358 = arith.muli %scan3A_59, %mul3A_357 : i32
      %add3A_359 = arith.constant 7 : i32
      %add3A_360 = arith.addi %mul3A_358, %add3A_359 : i32
      %mul3A_361 = arith.constant 16 : i32
      %mul3A_362 = arith.muli %add3A_360, %mul3A_361 : i32
      %add3A_363 = vector.broadcast %mul3A_362 : i32 to vector<16xi32>
      %add3A_364 = arith.addi %add3A_363, %iota3A : vector<16xi32>
      %lt3A_365 = arith.cmpi slt, %add3A_364, %scan3A_47 : vector<16xi32>
      %mul3A_366 = arith.constant 16 : i32
      %mul3A_367 = arith.muli %add3A_360, %mul3A_366 : i32
      %get3A_368 = arith.index_cast %mul3A_367 : i32 to index
      %get3A_369 = tpu.vector_load %arg8[%get3A_368] {strides = array<i32>} : memref<1024xi32, #tpu.memory_space<vmem>>, vector<16xi32>,
      %gather3A_370 = tpu.vector_load_idx %arg6[%get3A_369] masked %lt3A_365 : memref<80000xf32, #tpu.memory_space<vmem>>[vector<16xi32>], vector<16xf32>, vector<16xi1>
      %add3A_371 = arith.constant 20000 : i32
      %add3A_372 = vector.broadcast %add3A_371 : i32 to vector<16xi32>
      %add3A_373 = arith.addi %get3A_369, %add3A_372 : vector<16xi32>
      %gather3A_374 = tpu.vector_load_idx %arg6[%add3A_373] masked %lt3A_365 : memref<80000xf32, #tpu.memory_space<vmem>>[vector<16xi32>], vector<16xf32>, vector<16xi1>
      %add3A_375 = arith.constant 40000 : i32
      %add3A_376 = vector.broadcast %add3A_375 : i32 to vector<16xi32>
      %add3A_377 = arith.addi %get3A_369, %add3A_376 : vector<16xi32>
      %gather3A_378 = tpu.vector_load_idx %arg6[%add3A_377] masked %lt3A_365 : memref<80000xf32, #tpu.memory_space<vmem>>[vector<16xi32>], vector<16xf32>, vector<16xi1>
      %add3A_379 = arith.constant 60000 : i32
      %add3A_380 = vector.broadcast %add3A_379 : i32 to vector<16xi32>
      %add3A_381 = arith.addi %get3A_369, %add3A_380 : vector<16xi32>
      %gather3A_382 = tpu.vector_load_idx %arg6[%add3A_381] masked %lt3A_365 : memref<80000xf32, #tpu.memory_space<vmem>>[vector<16xi32>], vector<16xf32>, vector<16xi1>
      %mul3A_383 = arith.constant 5.120000e+02 : f32
      %mul3A_384 = vector.broadcast %mul3A_383 : f32 to vector<16xf32>
      %mul3A_385 = arith.mulf %gather3A_370, %mul3A_384 : vector<16xf32>
      %convert_element_type3A_386 = arith.fptosi %mul3A_385 : vector<16xf32> to vector<16xi32>
      %mul3A_387 = arith.constant 5.120000e+02 : f32
      %mul3A_388 = vector.broadcast %mul3A_387 : f32 to vector<16xf32>
      %mul3A_389 = arith.mulf %gather3A_374, %mul3A_388 : vector<16xf32>
      %convert_element_type3A_390 = arith.fptosi %mul3A_389 : vector<16xf32> to vector<16xi32>
      %mul3A_391 = arith.constant 512 : i32
      %mul3A_392 = vector.broadcast %mul3A_391 : i32 to vector<16xi32>
      %mul3A_393 = arith.muli %convert_element_type3A_390, %mul3A_392 : vector<16xi32>
      %add3A_394 = arith.addi %mul3A_393, %convert_element_type3A_386 : vector<16xi32>
      %sub3A_395 = vector.broadcast %mul3A_4 : i32 to vector<16xi32>
      %sub3A_396 = arith.subi %add3A_394, %sub3A_395 : vector<16xi32>
      tpu.vector_store_idx %arg9[%sub3A_396], %broadcast_in_dim3A_50 masked %lt3A_365 : memref<8192xf32, #tpu.memory_space<vmem>>[vector<16xi32>], vector<16xf32>, vector<16xi1>
      tpu.vector_store_idx %arg10[%sub3A_396], %gather3A_378 masked %lt3A_365 : memref<16384xf32, #tpu.memory_space<vmem>>[vector<16xi32>], vector<16xf32>, vector<16xi1>
      %add3A_397 = arith.constant 8192 : i32
      %add3A_398 = vector.broadcast %add3A_397 : i32 to vector<16xi32>
      %add3A_399 = arith.addi %sub3A_396, %add3A_398 : vector<16xi32>
      tpu.vector_store_idx %arg10[%add3A_399], %gather3A_382 masked %lt3A_365 : memref<16384xf32, #tpu.memory_space<vmem>>[vector<16xi32>], vector<16xf32>, vector<16xi1>
    }
    %scan3A_56 = arith.constant 8 : i32
    "tpu.region"() ({
      %run_scoped3A = tpu.sem_alloc : memref<!tpu.dma_semaphore, #tpu.memory_space<semaphore_mem>>
      %dma_start3A = tpu.memref_slice %arg3[%mul3A_4] : memref<262144xf32, #tpu.memory_space<hbm>> -> memref<8192xf32, #tpu.memory_space<hbm>>
      %dma_start3A_59 = tpu.memref_slice %arg3[%mul3A_4] : memref<262144xf32, #tpu.memory_space<hbm>> -> memref<8192xf32, #tpu.memory_space<hbm>>
      tpu.enqueue_dma source(%arg9 : memref<8192xf32, #tpu.memory_space<vmem>>) target(%dma_start3A_59 : memref<8192xf32, #tpu.memory_space<hbm>>) target_semaphore(%run_scoped3A : memref<!tpu.dma_semaphore, #tpu.memory_space<semaphore_mem>>)
      %dma_wait3A = tpu.memref_slice %arg3[%mul3A_4] : memref<262144xf32, #tpu.memory_space<hbm>> -> memref<8192xf32, #tpu.memory_space<hbm>>
      %dma_wait3A_60 = tpu.memref_slice %arg3[%mul3A_4] : memref<262144xf32, #tpu.memory_space<hbm>> -> memref<8192xf32, #tpu.memory_space<hbm>>
      tpu.wait_dma2 semaphore(%run_scoped3A : memref<!tpu.dma_semaphore, #tpu.memory_space<semaphore_mem>>) src(%arg9 : memref<8192xf32, #tpu.memory_space<vmem>>) dst(%dma_wait3A_60 : memref<8192xf32, #tpu.memory_space<hbm>>)
      tpu.yield
    }) : () -> ()
    "tpu.region"() ({
      %run_scoped3A = tpu.sem_alloc : memref<!tpu.dma_semaphore, #tpu.memory_space<semaphore_mem>>
      %dma_start3A = arith.constant 0 : i32
      %dma_start3A_59 = tpu.memref_slice %arg10[%dma_start3A] : memref<16384xf32, #tpu.memory_space<vmem>> -> memref<8192xf32, #tpu.memory_space<vmem>>
      %dma_start3A_60 = tpu.memref_slice %arg4[%mul3A_4] : memref<524288xf32, #tpu.memory_space<hbm>> -> memref<8192xf32, #tpu.memory_space<hbm>>
      %dma_start3A_61 = tpu.memref_slice %arg4[%mul3A_4] : memref<524288xf32, #tpu.memory_space<hbm>> -> memref<8192xf32, #tpu.memory_space<hbm>>
      %dma_start3A_62 = arith.constant 0 : i32
      %dma_start3A_63 = tpu.memref_slice %arg10[%dma_start3A_62] : memref<16384xf32, #tpu.memory_space<vmem>> -> memref<8192xf32, #tpu.memory_space<vmem>>
      tpu.enqueue_dma source(%dma_start3A_63 : memref<8192xf32, #tpu.memory_space<vmem>>) target(%dma_start3A_61 : memref<8192xf32, #tpu.memory_space<hbm>>) target_semaphore(%run_scoped3A : memref<!tpu.dma_semaphore, #tpu.memory_space<semaphore_mem>>)
      %dma_wait3A = arith.constant 0 : i32
      %dma_wait3A_64 = tpu.memref_slice %arg10[%dma_wait3A] : memref<16384xf32, #tpu.memory_space<vmem>> -> memref<8192xf32, #tpu.memory_space<vmem>>
      %dma_wait3A_65 = tpu.memref_slice %arg4[%mul3A_4] : memref<524288xf32, #tpu.memory_space<hbm>> -> memref<8192xf32, #tpu.memory_space<hbm>>
      %dma_wait3A_66 = tpu.memref_slice %arg4[%mul3A_4] : memref<524288xf32, #tpu.memory_space<hbm>> -> memref<8192xf32, #tpu.memory_space<hbm>>
      %dma_wait3A_67 = arith.constant 0 : i32
      %dma_wait3A_68 = tpu.memref_slice %arg10[%dma_wait3A_67] : memref<16384xf32, #tpu.memory_space<vmem>> -> memref<8192xf32, #tpu.memory_space<vmem>>
      tpu.wait_dma2 semaphore(%run_scoped3A : memref<!tpu.dma_semaphore, #tpu.memory_space<semaphore_mem>>) src(%dma_wait3A_68 : memref<8192xf32, #tpu.memory_space<vmem>>) dst(%dma_wait3A_66 : memref<8192xf32, #tpu.memory_space<hbm>>)
      tpu.yield
    }) : () -> ()
    %add3A_57 = arith.constant 262144 : i32
    %add3A_58 = arith.addi %add3A_57, %mul3A_4 : i32
    "tpu.region"() ({
      %run_scoped3A = tpu.sem_alloc : memref<!tpu.dma_semaphore, #tpu.memory_space<semaphore_mem>>
      %dma_start3A = arith.constant 8192 : i32
      %dma_start3A_59 = tpu.memref_slice %arg10[%dma_start3A] : memref<16384xf32, #tpu.memory_space<vmem>> -> memref<8192xf32, #tpu.memory_space<vmem>>
      %dma_start3A_60 = tpu.memref_slice %arg4[%add3A_58] : memref<524288xf32, #tpu.memory_space<hbm>> -> memref<8192xf32, #tpu.memory_space<hbm>>
      %dma_start3A_61 = tpu.memref_slice %arg4[%add3A_58] : memref<524288xf32, #tpu.memory_space<hbm>> -> memref<8192xf32, #tpu.memory_space<hbm>>
      %dma_start3A_62 = arith.constant 8192 : i32
      %dma_start3A_63 = tpu.memref_slice %arg10[%dma_start3A_62] : memref<16384xf32, #tpu.memory_space<vmem>> -> memref<8192xf32, #tpu.memory_space<vmem>>
      tpu.enqueue_dma source(%dma_start3A_63 : memref<8192xf32, #tpu.memory_space<vmem>>) target(%dma_start3A_61 : memref<8192xf32, #tpu.memory_space<hbm>>) target_semaphore(%run_scoped3A : memref<!tpu.dma_semaphore, #tpu.memory_space<semaphore_mem>>)
      %dma_wait3A = arith.constant 8192 : i32
      %dma_wait3A_64 = tpu.memref_slice %arg10[%dma_wait3A] : memref<16384xf32, #tpu.memory_space<vmem>> -> memref<8192xf32, #tpu.memory_space<vmem>>
      %dma_wait3A_65 = tpu.memref_slice %arg4[%add3A_58] : memref<524288xf32, #tpu.memory_space<hbm>> -> memref<8192xf32, #tpu.memory_space<hbm>>
      %dma_wait3A_66 = tpu.memref_slice %arg4[%add3A_58] : memref<524288xf32, #tpu.memory_space<hbm>> -> memref<8192xf32, #tpu.memory_space<hbm>>
      %dma_wait3A_67 = arith.constant 8192 : i32
      %dma_wait3A_68 = tpu.memref_slice %arg10[%dma_wait3A_67] : memref<16384xf32, #tpu.memory_space<vmem>> -> memref<8192xf32, #tpu.memory_space<vmem>>
      tpu.wait_dma2 semaphore(%run_scoped3A : memref<!tpu.dma_semaphore, #tpu.memory_space<semaphore_mem>>) src(%dma_wait3A_68 : memref<8192xf32, #tpu.memory_space<vmem>>) dst(%dma_wait3A_66 : memref<8192xf32, #tpu.memory_space<hbm>>)
      tpu.yield
    }) : () -> ()
    return
  }
}

</mosaic_0001>

<sc_bundles>
// kernel: kernel.3.cloned.1.call-start
scs
__scs_entry_jumppad:
0x0: {  	(pc) =	sbr.rel $0x88, $3  }
0x1: {  	(tag) =	ssettag $0x0;
	lr =	simm.s32 $0x1  }
0x2: {  	[smem:$0x3FA0] =	sst lr;
	_ =	strace $0xD0000000  }
0x3: {  	_ = 	snop  }
0x4: {  	_ = 	snop  }
0x5: {  	_ = 	snop  }
0x6: {  	_ = 	snop  }
0x7: {  	_ = 	snop  }
__scs_overlays_trampoline_lowered:
0x8: {  	[smem:$0x3FAF] =	sst s0  }
0x9: {  	[smem:$0x3FB0] =	sst s1  }
0xa: {  	[smem:$0x3FB1] =	sst s2  }
0xb: {  	[smem:$0x3FB2] =	sst s3  }
0xc: {  	[smem:$0x3FB3] =	sst s4  }
0xd: {  	[smem:$0x3FB4] =	sst s5  }
0xe: {  	[smem:$0x3FB5] =	sst s6  }
0xf: {  	[smem:$0x3FB6] =	sst s7  }
0x10: {  	[smem:$0x3FB7] =	sst s8  }
0x11: {  	[smem:$0x3FB8] =	sst s9;
	s0 =	simm.s32 @!p0 $0x0  }
0x12: {  	s1 =	sld [smem:$0x3F9E];
	s0 =	simm.s32 @p0 $0x1  }
0x13: {  	[smem:$0x3FB9] =	sst s0;
	s0 =	simm.s32 @!p1 $0x0  }
0x14: {  	s2 =	sld [smem:$0x3F9D];
	s0 =	simm.s32 @p1 $0x1  }
0x15: {  	[smem:$0x3FBA] =	sst s0;
	s0 =	simm.s32 @!p2 $0x0  }
0x16: {  	s3 =	sld [smem:$0x3FDB];
	s0 =	simm.s32 @p2 $0x1  }
0x17: {  	s4 =	simm.s32 $0x1BF5;
	[smem:$0x3FBC] =	sst s0  }
0x18: {  	s0 =	sld [smem:$0x3F9F];
	_ =	swait.ge [sflag:s4], $0x0  }
0x19: {  	s7 =	sld [smem:$0x3FA0]  }
0x1a: {  	s8 =	sadd.s32 $0xFFFFE003, lr  }
0x1b: {  	s9 =	sadd.s32 $0xFFFFFEF7, lr;
	s5 =	simm.s32 $0xFFFFFFFF;
	p2 =	slt.u32 s8, $0xFFFFF086  }
0x1c: {  	p1 =	slt.u32 s9, $0xF7A;
	s5 =	simm.s32 @!p2 $0x0  }
0x1d: {  	s5 =	simm.s32 @p1 $0x1;
	p0 =	seq.s32 s7, s2  }
0x1e: {  	s7 =	smul.u32 @!p0 $0xF7A, s2;
	p2 =	seq.s32 @!p0 s5, $0x0  }
0x1f: {  	s9 =	smul.u32 $0xF7A, s1;
	s8 =	simm.s32 @!p0 $0x1BF5;
	p2 =	por !p2, p0  }
0x20: {  	[sflag:s8] =	ssyncset.s32 @!p0 $0xFFFFF086;
	s6 =	sadd.s32 @!p0 s3, s7;
	s7 =	simm.s32 @!p0 $0x108  }
0x21: {  	s3 =	sadd.s32 s3, s9;
	s6 =	sadd.s32 @!p0 $0x88, s6;
	s7 =	simm.s32 @p2 $0x1082  }
0x22: {  	[simem:s7], [sflag:s8] =	dma.local @!p0 [hbm:s6], $0xF7A  }
0x23: {  	s9 =	sor.u32 $0xD0000000, s2;
	s6 =	simm.s32 $0x108;
	_ =	swait.ge @!p0 [sflag:s8], $0x0  }
0x24: {  	s3 =	sadd.s32 $0x88, s3;
	s6 =	simm.s32 @!p1 $0x1082;
	[sflag:s4] =	ssyncset.s32 $0xFFFFF086  }
0x25: {  	[simem:s6], [sflag:s4] =	dma.local [hbm:s3], $0xF7A  }
0x26: {  	[smem:$0x3FA0] =	sst s1;
	(tag) =	ssettag s2;
	_ =	strace s9  }
0x27: {  	s1 =	sld [smem:$0x3FB0]  }
0x28: {  	s2 =	sld [smem:$0x3FB1]  }
0x29: {  	s4 =	sld [smem:$0x3FB3]  }
0x2a: {  	p0 =	seq.s32 s5, $0x0;
	s5 =	sld [smem:$0x3FB4]  }
0x2b: {  	s6 =	sld [smem:$0x3FB5]  }
0x2c: {  	s7 =	sld [smem:$0x3FB6]  }
0x2d: {  	s3 =	simm.s32 $0x108;
	s8 =	sld [smem:$0x3FB7]  }
0x2e: {  	s3 =	simm.s32 @!p0 $0x1082;
	s9 =	sld [smem:$0x3FB8]  }
0x2f: {  	lr =	sadd.s32 s0, s3;
	s0 =	sld [smem:$0x3FAF]  }
0x30: {  	s3 =	sld [smem:$0x3FB2]  }
0x31: {  	[smem:$0x3FBB] =	sst s10  }
0x32: {  	s10 =	sld [smem:$0x3FB9];
	_ =	sdelay $0x3  }
0x33: {  	p0 =	seq.s32 s10, $0x1;
	s10 =	sld [smem:$0x3FBB];
	_ =	sdelay $0x3  }
0x34: {  	[smem:$0x3FBB] =	sst s10  }
0x35: {  	s10 =	sld [smem:$0x3FBA];
	_ =	sdelay $0x3  }
0x36: {  	p1 =	seq.s32 s10, $0x1;
	s10 =	sld [smem:$0x3FBB];
	_ =	sdelay $0x3  }
0x37: {  	[smem:$0x3FBB] =	sst s10  }
0x38: {  	s10 =	sld [smem:$0x3FBC]  }
0x39: {  	_ = 	snop;
	(pc) =	sbr.ind lr, $3  }
0x3a: {  	_ = 	snop  }
0x3b: {  	_ = 	snop  }
0x3c: {  	p2 =	seq.s32 s10, $0x1;
	s10 =	sld [smem:$0x3FBB]  }
0x3d: {  	_ =	shalt  }
0x3e: {  	_ =	shalt  }
0x3f: {  	_ =	shalt  }
0x40: {  	_ =	shalt  }
0x41: {  	_ =	shalt  }
0x42: {  	_ =	shalt  }
0x43: {  	_ =	shalt  }
0x44: {  	_ =	shalt  }
0x45: {  	_ =	shalt  }
0x46: {  	_ =	shalt  }
0x47: {  	_ =	shalt  }
0x48: {  	_ =	shalt  }
0x49: {  	_ =	shalt  }
0x4a: {  	_ =	shalt  }
0x4b: {  	_ =	shalt  }
0x4c: {  	_ =	shalt  }
0x4d: {  	_ =	shalt  }
0x4e: {  	_ =	shalt  }
0x4f: {  	_ =	shalt  }
0x50: {  	_ =	shalt  }
0x51: {  	_ =	shalt  }
0x52: {  	_ =	shalt  }
0x53: {  	_ =	shalt  }
0x54: {  	_ =	shalt  }
0x55: {  	_ =	shalt  }
0x56: {  	_ =	shalt  }
0x57: {  	_ =	shalt  }
0x58: {  	_ =	shalt  }
0x59: {  	_ =	shalt  }
0x5a: {  	_ =	shalt  }
0x5b: {  	_ =	shalt  }
0x5c: {  	_ =	shalt  }
0x5d: {  	_ =	shalt  }
0x5e: {  	_ =	shalt  }
0x5f: {  	_ =	shalt  }
0x60: {  	_ =	shalt  }
0x61: {  	_ =	shalt  }
0x62: {  	_ =	shalt  }
0x63: {  	_ =	shalt  }
0x64: {  	_ =	shalt  }
0x65: {  	_ =	shalt  }
0x66: {  	_ =	shalt  }
0x67: {  	_ =	shalt  }
0x68: {  	_ =	shalt  }
0x69: {  	_ =	shalt  }
0x6a: {  	_ =	shalt  }
0x6b: {  	_ =	shalt  }
0x6c: {  	_ =	shalt  }
0x6d: {  	_ =	shalt  }
0x6e: {  	_ =	shalt  }
0x6f: {  	_ =	shalt  }
0x70: {  	_ =	shalt  }
0x71: {  	_ =	shalt  }
0x72: {  	_ =	shalt  }
0x73: {  	_ =	shalt  }
0x74: {  	_ =	shalt  }
0x75: {  	_ =	shalt  }
0x76: {  	_ =	shalt  }
0x77: {  	_ =	shalt  }
0x78: {  	_ =	shalt  }
0x79: {  	_ =	shalt  }
0x7a: {  	_ =	shalt  }
0x7b: {  	_ =	shalt  }
0x7c: {  	_ =	shalt  }
0x7d: {  	_ =	shalt  }
0x7e: {  	_ =	shalt  }
0x7f: {  	_ =	shalt  }
0x80: {  	_ =	shalt  }
0x81: {  	_ =	shalt  }
0x82: {  	_ =	shalt  }
0x83: {  	_ =	shalt  }
0x84: {  	_ =	shalt  }
0x85: {  	_ =	shalt  }
0x86: {  	_ =	shalt  }
0x87: {  	_ =	shalt  }
.Lfunc_end0:
.L_simem_size_0:
called_computation_lowered:
.L_overlay_start_0:
0x88: {  	s2 =	sld [smem:$0x3FD9]  }
0x89: {  	s3 =	sld [smem:$0x3FFE];
	_ =	sdelay $0x1  }
0x8a: {  	s1 =	srdreg.scid  }
0x8b: {  	s0 =	sand.u32 $0x1, s1  }
0x8c: {  	s14 =	sshll.u32 s0, $0xA;
	s2 =	sadd.s32 s3, s2  }
0x8d: {  	s2 =	sadd.s32 s2, s14  }
0x8e: {  	[smem:$0x3FC7] =	sst s2  }
0x8f: {  	_ = 	snop  }
0x90: {  	s2 =	sld [smem:$0x3FD0];
	_ =	sdelay $0x2  }
0x91: {  	s15 =	simm.s32 $0xA;
	s4 =	simm.s32 $0x10  }
0x92: {  	[smem:s4], [sflag:s15] =	dma.local [hbm:s2], $0x1  }
0x93: {  	_ =	swait.eq [sflag:s15], $0x1  }
0x94: {  	[sflag:s15] =	ssyncset.done $0x0  }
0x95: {  	s16 =	sld [smem:$0x10];
	[sflag:s15] =	ssyncadd.s32 $0xFFFFFFFF  }
0x96: {  	s17 =	sld [smem:$0x11];
	(tm) =	ssettm $0x1  }
0x97: {  	s18 =	sld [smem:$0x3FFB];
	_ =	sdelay $0x3  }
0x98: {  	_ =	strace s18  }
0x99: {  	s4 =	sld [smem:$0x3FFC];
	_ =	sdelay $0x3  }
0x9a: {  	_ =	strace s4  }
0x9b: {  	s4 =	sld [smem:$0x3FFD];
	_ =	sdelay $0x3  }
0x9c: {  	_ =	strace s4  }
0x9d: {  	_ =	strace $0x8FFFFFFF  }
0x9e: {  	s19 =	sld [smem:$0x3FDB];
	_ =	sdelay $0x1  }
0x9f: {  	s5 =	simm.s32 $_scs_section_size  }
0xa0: {  	s6 =	simm.s32 $_size__tile_overlayer_lowered;
	s7 =	simm.s32 $_tile_overlayer_lowered  }
0xa1: {  	s22 =	simm.s32 $0x1BFF;
	s21 =	sshll.u32 s7, $0x1;
	s4 =	sadd.s32 s5, s19  }
0xa2: {  	s8 =	simm.s32 $0x0;
	s20 =	sshll.u32 s6, $0x1;
	s6 =	sadd.s32 s21, s4  }
0xa3: {  	[timem:s8], [sflag:s22] =	dma.local [hbm:s6], s20  }
0xa4: {  	_ =	swait.ge [sflag:s22], s20  }
0xa5: {  	s5 =	ssub.s32 $0x0, s20;
	[sflag:s22] =	ssyncset.done $0x0  }
0xa6: {  	[sflag:s22] =	ssyncadd.s32 s5;
	_ =	sdelay $0x1  }
0xa7: {  	s23 =	simm.s32 $0x1B8B  }
0xa8: {  	_ =	swait.ge [sflag:s23], $0x1  }
0xa9: {  	[sflag:s23] =	ssyncset.done $0x0  }
0xaa: {  	s25 =	simm.s32 $0x1B8E;
	s24 =	sld [smem:$0x3FFE];
	[sflag:s23] =	ssyncadd.s32 $0xFFFFFFFF  }
0xab: {  	s26 =	simm.s32 $execute0_lowered;
	[smem:$0x3FD2] =	sst s25  }
0xac: {  	s6 =	sshll.u32 s26, $0x1;
	_ =	strace $0x80000046;
	[dreg:$0x1] =	wrdreg $0xFFFFFFFF  }
0xad: {  	s28 =	simm.s32 $_size_execute0_lowered;
	s4 =	sadd.s32 s4, s6;
	[dreg:$0x0] =	wrdreg $0x0  }
0xae: {  	s6 =	sshll.u32 s28, $0x1;
	[dreg:$0x2] =	wrdreg s4  }
0xaf: {  	[dreg:$0x3] =	wrdreg s6  }
0xb0: {  	[dreg:$0x4] =	wrdreg $0xC0  }
0xb1: {  	_ =	task [dreg:s8], $0x5FFFF  }
0xb2: {  	[dreg:$0x1] =	wrdreg $0xFFFFFFFF  }
0xb3: {  	[dreg:$0x0] =	wrdreg $0x60  }
0xb4: {  	[dreg:$0x2] =	wrdreg s16  }
0xb5: {  	[dreg:$0x3] =	wrdreg s24  }
0xb6: {  	[dreg:$0x4] =	wrdreg s17  }
0xb7: {  	[dreg:$0x5] =	wrdreg $0x0  }
0xb8: {  	[dreg:$0x6] =	wrdreg $0x9  }
0xb9: {  	_ =	task.clear_ibuf [dreg:s8], $0x7FFFF;
	_ =	strace $0x90000046  }
0xba: {  	s29 =	simm.s32 $0x9;
	_ =	strace $0x80000048  }
0xbb: {  	_ =	swait.ge [sflag:s29], $0x1  }
0xbc: {  	[sflag:s29] =	ssyncadd.s32 $0xFFFFFFFF  }
0xbd: {  	_ =	strace $0x90000048  }
0xbe: {  	_ =	sfence  }
0xbf: {  	s30 =	sld [smem:$0x0];
	_ =	sdelay $0x2  }
0xc0: {  	s31 =	sshll.u32 s1, $0xD;
	s1 =	sshrl.u32 s1, $0x2  }
0xc1: {  	s3 =	sand.u32 $0x4000, s31;
	s1 =	sadd.s32 s1, s30  }
0xc2: {  	s0 =	sor.u32 s3, s0;
	s1 =	sshll.u32 s1, $0x11  }
0xc3: {  	s0 =	sor.u32 s1, s0  }
0xc4: {  	s0 =	sadd.s32 $0x8F2B, s0  }
0xc5: {  	[sflag:s0] =	ssyncadd.remote.s32 $0x1  }
0xc6: {  	_ =	sfence.sel $0xFFFF  }
0xc7: {  	[dreg:$0x0] =	wrdreg $0xFFFFFFFF;
	(pc) =	sbr.abs _section_cstart, $3  }
0xc8: {  	[dreg:$0x1] =	wrdreg $0xFFFFFFFF  }
0xc9: {  	_ =	task.clear_ibuf [dreg:s8], $0x2FFFF;
	_ =	strace $0x9FFFFFFF  }
0xca: {  	(tm) =	ssettm $0x7FFFFFFF  }
0xcb: {  	_ =	shalt  }
tec
execute0_lowered:
.L_overlay_start_1:
0x0: {  	(tag) =	ssettag $0x1  }
0x1: {  	s1 =	rddreg [dreg:$0x0]  }
0x2: {  	s4 =	rddreg [dreg:$0x1]  }
0x3: {  	s5 =	rddreg [dreg:$0x2]  }
0x4: {  	s2 =	rddreg [dreg:$0x3]  }
0x5: {  	s0 =	rddreg [dreg:$0x4]  }
0x6: {  	s6 =	srdreg.scid;
	s7 =	stileid.u32  }
0x7: {  	s3 =	simm.s32 $0x0;
	s13 =	simm.s32 $0x1BE88;
	s14 =	simm.s32 $0x1DE88  }
0x8: {  	s15 =	simm.s32 $0x0;
	s6 =	sand.u32 $0x1, s6;
	s8 =	sshll.u32 s7, $0x1  }
0x9: {  	[smem:$0x7FF] =	sst s3;
	p0 =	sne.s32 s7, $0x0;
	s8 =	sor.u32 s6, s8  }
0xa: {  	s6 =	ssub.s32 $0x2, s6;
	_ =	strace $0x80000047;
	s9 =	sshll.u32 s8, $0xA  }
0xb: {  	s10 =	sshrl.u32 s6, $0x1;
	s31 =	sshll.u32 s8, $0xD;
	s8 =	sshll.u32 s8, $0x4  }
0xc: {  	s11 =	sadd.s32 s9, s4;
	s10 =	ssub.s32 s6, s10;
	s12 =	ssub.s32 $0x0, s31  }
0xd: {  	s4 =	sadd.s32 s5, s9;
	v0 =	vmov s8;
	s8 =	sshrl.u32 @!p0 s2, $0x3;
	s9 =	simm.s32 $0x1388  }
0xe: {  	v2 =	vimm.f32 $0.0e+00;
	v3 =	vlaneseq.u32;
	v4 =	vimm.s32 $0x0;
	s5 =	sadd.s32 $0xA00, s11;
	s6 =	sadd.s32 $0x8000, s4;
	s7 =	smax.u32 s10, $0x1  }
0xf: {  	v6 =	vimm.f32 $1.000000000e+00;
	v5 =	vadd.s32 $0x1, v3;
	v1 =	vmov s12;
	s10 =	simm.s32 $0x2;
	s11 =	simm.s32 $0x19A88;
	s12 =	simm.s32 $0x19E88  }
.LBB2_1:
0x10: {  	s16 =	simm.s32 @!p0 $0x1C01  }
0x11: {  	[spmem:s8], [sflag:s16] =	dma.local @!p0 [hbm:s1], $0x2710  }
0x12: {  	s17 =	simm.s32 $0x200;
	s16 =	simm.s32 $0x0  }
.LBB2_2:
0x13: {  	p1 =	sne.s32 s17, $0x7E00;
	[tilespmem:s16+$0x1DEF8] =	vst v2  }
0x14: {  	[tilespmem:s16+$0x19E88] =	vst v2  }
0x15: {  	[tilespmem:s16+$0x1BE88] =	vst v2  }
0x16: {  	[tilespmem:s16+$0x1DE88] =	vst v2  }
0x17: {  	[tilespmem:s16+$0x19E98] =	vst v2  }
0x18: {  	[tilespmem:s16+$0x1BE98] =	vst v2  }
0x19: {  	[tilespmem:s16+$0x1DE98] =	vst v2  }
0x1a: {  	[tilespmem:s16+$0x19EA8] =	vst v2  }
0x1b: {  	[tilespmem:s16+$0x1BEA8] =	vst v2  }
0x1c: {  	[tilespmem:s16+$0x1DEA8] =	vst v2  }
0x1d: {  	[tilespmem:s16+$0x19EB8] =	vst v2  }
0x1e: {  	[tilespmem:s16+$0x1BEB8] =	vst v2  }
0x1f: {  	[tilespmem:s16+$0x1DEB8] =	vst v2  }
0x20: {  	[tilespmem:s16+$0x19EC8] =	vst v2  }
0x21: {  	[tilespmem:s16+$0x1BEC8] =	vst v2  }
0x22: {  	[tilespmem:s16+$0x1DEC8] =	vst v2  }
0x23: {  	[tilespmem:s16+$0x19ED8] =	vst v2  }
0x24: {  	[tilespmem:s16+$0x1BED8] =	vst v2  }
0x25: {  	[tilespmem:s16+$0x1DED8] =	vst v2  }
.Ltmp0:
0x26: {  	[tilespmem:s16+$0x19EE8] =	vst v2;
	(pc) =	sbr.rel @p1 .LBB2_2-.Ltmp0, $4  }
0x27: {  	[tilespmem:s16+$0x1BEE8] =	vst v2  }
0x28: {  	[tilespmem:s16+$0x1DEE8] =	vst v2  }
0x29: {  	[tilespmem:s16+$0x19EF8] =	vst v2  }
0x2a: {  	[tilespmem:s16+$0x1BEF8] =	vst v2;
	s16 =	sshra.s32 s17, $0x2;
	s17 =	sadd.s32 $0x200, s17  }
0x2b: {  	[tilespmem:s16+$0x1DEF8] =	vst v2  }
0x2c: {  	[tilespmem:s16+$0x19E88] =	vst v2  }
0x2d: {  	[tilespmem:s16+$0x1BE88] =	vst v2  }
0x2e: {  	[tilespmem:s16+$0x1DE88] =	vst v2  }
0x2f: {  	[tilespmem:s16+$0x19E98] =	vst v2  }
0x30: {  	[tilespmem:s16+$0x1BE98] =	vst v2  }
0x31: {  	[tilespmem:s16+$0x1DE98] =	vst v2  }
0x32: {  	[tilespmem:s16+$0x19EA8] =	vst v2  }
0x33: {  	[tilespmem:s16+$0x1BEA8] =	vst v2  }
0x34: {  	[tilespmem:s16+$0x1DEA8] =	vst v2  }
0x35: {  	[tilespmem:s16+$0x19EB8] =	vst v2  }
0x36: {  	[tilespmem:s16+$0x1BEB8] =	vst v2  }
0x37: {  	[tilespmem:s16+$0x1DEB8] =	vst v2  }
0x38: {  	[tilespmem:s16+$0x19EC8] =	vst v2  }
0x39: {  	[tilespmem:s16+$0x1BEC8] =	vst v2  }
0x3a: {  	[tilespmem:s16+$0x1DEC8] =	vst v2  }
0x3b: {  	[tilespmem:s16+$0x19ED8] =	vst v2  }
0x3c: {  	[tilespmem:s16+$0x1BED8] =	vst v2  }
0x3d: {  	[tilespmem:s16+$0x1DED8] =	vst v2  }
0x3e: {  	[tilespmem:s16+$0x19EE8] =	vst v2  }
0x3f: {  	[tilespmem:s16+$0x1BEE8] =	vst v2  }
0x40: {  	[tilespmem:s16+$0x1DEE8] =	vst v2  }
0x41: {  	[tilespmem:s16+$0x19EF8] =	vst v2  }
0x42: {  	[tilespmem:s16+$0x1BEF8] =	vst v2  }
0x43: {  	[tilespmem:$0x19A88] =	vst v4  }
0x44: {  	[tilespmem:$0x19A98] =	vst v4  }
0x45: {  	[tilespmem:$0x19AA8] =	vst v4  }
0x46: {  	[tilespmem:$0x19AB8] =	vst v4  }
0x47: {  	[tilespmem:$0x19AC8] =	vst v4  }
0x48: {  	[tilespmem:$0x19AD8] =	vst v4  }
0x49: {  	[tilespmem:$0x19AE8] =	vst v4  }
0x4a: {  	[tilespmem:$0x19AF8] =	vst v4  }
0x4b: {  	[tilespmem:$0x19B08] =	vst v4  }
0x4c: {  	[tilespmem:$0x19B18] =	vst v4  }
0x4d: {  	[tilespmem:$0x19B28] =	vst v4  }
0x4e: {  	[tilespmem:$0x19B38] =	vst v4  }
0x4f: {  	[tilespmem:$0x19B48] =	vst v4  }
0x50: {  	[tilespmem:$0x19B58] =	vst v4  }
0x51: {  	[tilespmem:$0x19B68] =	vst v4  }
0x52: {  	[tilespmem:$0x19B78] =	vst v4  }
0x53: {  	[tilespmem:$0x19B88] =	vst v4  }
0x54: {  	[tilespmem:$0x19B98] =	vst v4  }
0x55: {  	[tilespmem:$0x19BA8] =	vst v4  }
0x56: {  	[tilespmem:$0x19BB8] =	vst v4  }
0x57: {  	[tilespmem:$0x19BC8] =	vst v4  }
0x58: {  	[tilespmem:$0x19BD8] =	vst v4  }
0x59: {  	[tilespmem:$0x19BE8] =	vst v4  }
0x5a: {  	[tilespmem:$0x19BF8] =	vst v4  }
0x5b: {  	[tilespmem:$0x19C08] =	vst v4  }
0x5c: {  	[tilespmem:$0x19C18] =	vst v4  }
0x5d: {  	[tilespmem:$0x19C28] =	vst v4  }
0x5e: {  	[tilespmem:$0x19C38] =	vst v4  }
0x5f: {  	[tilespmem:$0x19C48] =	vst v4  }
0x60: {  	[tilespmem:$0x19C58] =	vst v4  }
0x61: {  	[tilespmem:$0x19C68] =	vst v4  }
0x62: {  	[tilespmem:$0x19C78] =	vst v4  }
0x63: {  	[tilespmem:$0x19C88] =	vst v4  }
0x64: {  	[tilespmem:$0x19C98] =	vst v4  }
0x65: {  	[tilespmem:$0x19CA8] =	vst v4  }
0x66: {  	[tilespmem:$0x19CB8] =	vst v4  }
0x67: {  	[tilespmem:$0x19CC8] =	vst v4  }
0x68: {  	[tilespmem:$0x19CD8] =	vst v4  }
0x69: {  	[tilespmem:$0x19CE8] =	vst v4  }
0x6a: {  	[tilespmem:$0x19CF8] =	vst v4  }
0x6b: {  	[tilespmem:$0x19D08] =	vst v4  }
0x6c: {  	[tilespmem:$0x19D18] =	vst v4  }
0x6d: {  	[tilespmem:$0x19D28] =	vst v4  }
0x6e: {  	[tilespmem:$0x19D38] =	vst v4  }
0x6f: {  	[tilespmem:$0x19D48] =	vst v4  }
0x70: {  	[tilespmem:$0x19D58] =	vst v4  }
0x71: {  	[tilespmem:$0x19D68] =	vst v4  }
0x72: {  	[tilespmem:$0x19D78] =	vst v4  }
0x73: {  	[tilespmem:$0x19D88] =	vst v4  }
0x74: {  	[tilespmem:$0x19D98] =	vst v4  }
0x75: {  	[tilespmem:$0x19DA8] =	vst v4  }
0x76: {  	[tilespmem:$0x19DB8] =	vst v4  }
0x77: {  	[tilespmem:$0x19DC8] =	vst v4  }
0x78: {  	[tilespmem:$0x19DD8] =	vst v4  }
0x79: {  	[tilespmem:$0x19DE8] =	vst v4  }
0x7a: {  	[tilespmem:$0x19DF8] =	vst v4  }
0x7b: {  	[tilespmem:$0x19E08] =	vst v4  }
0x7c: {  	[tilespmem:$0x19E18] =	vst v4  }
0x7d: {  	[tilespmem:$0x19E28] =	vst v4  }
0x7e: {  	[tilespmem:$0x19E38] =	vst v4  }
0x7f: {  	[tilespmem:$0x19E48] =	vst v4  }
0x80: {  	[tilespmem:$0x19E58] =	vst v4  }
0x81: {  	[tilespmem:$0x19E68] =	vst v4  }
0x82: {  	s16 =	simm.s32 $0x0;
	s17 =	simm.s32 $0x200;
	[tilespmem:$0x19E78] =	vst v4  }
.LBB2_4:
0x83: {  	p1 =	sne.s32 s17, $0x13600;
	[tilespmem:s16+$0x14C78] =	vst v4  }
0x84: {  	[tilespmem:s16+$0x14C08] =	vst v4  }
0x85: {  	[tilespmem:s16+$0x14C18] =	vst v4  }
.Ltmp1:
0x86: {  	[tilespmem:s16+$0x14C28] =	vst v4;
	(pc) =	sbr.rel @p1 .LBB2_4-.Ltmp1, $4  }
0x87: {  	[tilespmem:s16+$0x14C38] =	vst v4  }
0x88: {  	[tilespmem:s16+$0x14C48] =	vst v4  }
0x89: {  	[tilespmem:s16+$0x14C58] =	vst v4  }
0x8a: {  	[tilespmem:s16+$0x14C68] =	vst v4;
	s16 =	sshra.s32 s17, $0x2;
	s17 =	sadd.s32 $0x200, s17  }
0x8b: {  	[tilespmem:s16+$0x14C78] =	vst v4  }
0x8c: {  	[tilespmem:s16+$0x14C08] =	vst v4  }
0x8d: {  	[tilespmem:s16+$0x14C18] =	vst v4  }
0x8e: {  	[tilespmem:s16+$0x14C28] =	vst v4  }
0x8f: {  	[tilespmem:s16+$0x14C38] =	vst v4  }
0x90: {  	[tilespmem:s16+$0x14C48] =	vst v4  }
0x91: {  	[tilespmem:s16+$0x14C58] =	vst v4  }
0x92: {  	[tilespmem:s16+$0x14C68] =	vst v4;
	s16 =	simm.s32 @!p0 $0x1  }
0x93: {  	_ =	swait.ge @!p0 [sflag:s16], $0x2710  }
0x94: {  	[sflag:s16] =	ssyncset.done @!p0 $0x0  }
0x95: {  	[sflag:s16] =	ssyncadd.s32 @!p0 $0xFFFFD8F0  }
0x96: {  	[bflag:$0x0] =	sbarrier.arrive $0xFFFF  }
0x97: {  	[tilespmem:s9], [sflag:$0x2] =	stream.linear.gather [spmem:s2], $0x13880, $0x38;
	[tilespmem:$0x1FE88] =	vst v63  }
0x98: {  	_ =	swait.ge [sflag:s10], $0x13880  }
0x99: {  	[sflag:s10] =	ssyncset.done $0x0  }
0x9a: {  	s17 =	simm.s32 $0x0;
	[sflag:s10] =	ssyncadd.s32 $0xFFFEC780  }
0x9b: {  	v7 =	vld [tilespmem:s17+$0x61A8];
	_ =	sdelay $0x4  }
0x9c: {  	v7 =	vmul.f32 $5.120000000e+02, v7;
	_ =	sdelay $0x1  }
0x9d: {  	v7 =	vtrunc.f32 v7  }
0x9e: {  	v7 =	vcvt.f32.s32 v7;
	_ =	sdelay $0x1  }
0x9f: {  	s22 =	simm.s32 $0x0;
	v7 =	vsub.s32 v7, v0  }
0xa0: {  	vm0 =	vlt.u32 v7, $0x10;
	v7 =	vor.u32 s22, v5  }
0xa1: {  	[tilespmem:s17+$0x14C08] =	vst.msk vm0, v7  }
0xa2: {  	v7 =	vld [tilespmem:s17+$0x61B8];
	_ =	sdelay $0x4  }
0xa3: {  	v7 =	vmul.f32 $5.120000000e+02, v7;
	_ =	sdelay $0x1  }
0xa4: {  	v7 =	vtrunc.f32 v7  }
0xa5: {  	v7 =	vcvt.f32.s32 v7;
	_ =	sdelay $0x1  }
0xa6: {  	s18 =	simm.s32 $0x10;
	v7 =	vsub.s32 v7, v0  }
0xa7: {  	vm0 =	vlt.u32 v7, $0x10;
	v7 =	vadd.s32 s18, v5  }
0xa8: {  	[tilespmem:s17+$0x14C18] =	vst.msk vm0, v7  }
0xa9: {  	v7 =	vld [tilespmem:s17+$0x61C8];
	_ =	sdelay $0x4  }
0xaa: {  	v7 =	vmul.f32 $5.120000000e+02, v7;
	_ =	sdelay $0x1  }
0xab: {  	v7 =	vtrunc.f32 v7  }
0xac: {  	v7 =	vcvt.f32.s32 v7;
	_ =	sdelay $0x1  }
0xad: {  	s23 =	simm.s32 $0x20;
	v7 =	vsub.s32 v7, v0  }
0xae: {  	vm0 =	vlt.u32 v7, $0x10;
	v7 =	vor.u32 s23, v5  }
0xaf: {  	[tilespmem:s17+$0x14C28] =	vst.msk vm0, v7  }
0xb0: {  	v7 =	vld [tilespmem:s17+$0x61D8];
	_ =	sdelay $0x4  }
0xb1: {  	v7 =	vmul.f32 $5.120000000e+02, v7;
	_ =	sdelay $0x1  }
0xb2: {  	v7 =	vtrunc.f32 v7  }
0xb3: {  	v7 =	vcvt.f32.s32 v7;
	_ =	sdelay $0x1  }
0xb4: {  	s24 =	simm.s32 $0x30;
	v7 =	vsub.s32 v7, v0  }
0xb5: {  	vm0 =	vlt.u32 v7, $0x10;
	v7 =	vadd.s32 s24, v5  }
0xb6: {  	[tilespmem:s17+$0x14C38] =	vst.msk vm0, v7  }
0xb7: {  	v7 =	vld [tilespmem:s17+$0x61E8];
	_ =	sdelay $0x4  }
0xb8: {  	v7 =	vmul.f32 $5.120000000e+02, v7;
	_ =	sdelay $0x1  }
0xb9: {  	v7 =	vtrunc.f32 v7  }
0xba: {  	v7 =	vcvt.f32.s32 v7;
	_ =	sdelay $0x1  }
0xbb: {  	s25 =	simm.s32 $0x40;
	v7 =	vsub.s32 v7, v0  }
0xbc: {  	vm0 =	vlt.u32 v7, $0x10;
	v7 =	vor.u32 s25, v5  }
0xbd: {  	[tilespmem:s17+$0x14C48] =	vst.msk vm0, v7  }
0xbe: {  	v7 =	vld [tilespmem:s17+$0x61F8];
	_ =	sdelay $0x4  }
0xbf: {  	v7 =	vmul.f32 $5.120000000e+02, v7;
	_ =	sdelay $0x1  }
0xc0: {  	v7 =	vtrunc.f32 v7  }
0xc1: {  	v7 =	vcvt.f32.s32 v7;
	_ =	sdelay $0x1  }
0xc2: {  	s26 =	simm.s32 $0x50;
	v7 =	vsub.s32 v7, v0  }
0xc3: {  	vm0 =	vlt.u32 v7, $0x10;
	v7 =	vadd.s32 s26, v5  }
0xc4: {  	s28 =	sand.u32 $0x7FE0, s22;
	[tilespmem:s17+$0x14C58] =	vst.msk vm0, v7  }
0xc5: {  	v7 =	vld [tilespmem:s28+$0x6208];
	_ =	sdelay $0x4  }
0xc6: {  	v7 =	vmul.f32 $5.120000000e+02, v7;
	_ =	sdelay $0x1  }
0xc7: {  	v7 =	vtrunc.f32 v7  }
0xc8: {  	v7 =	vcvt.f32.s32 v7;
	_ =	sdelay $0x1  }
0xc9: {  	s29 =	simm.s32 $0x60;
	v7 =	vsub.s32 v7, v0  }
0xca: {  	vm0 =	vlt.u32 v7, $0x10;
	v7 =	vor.u32 s29, v5  }
0xcb: {  	[tilespmem:s17+$0x14C68] =	vst.msk vm0, v7  }
0xcc: {  	v7 =	vld [tilespmem:s17+$0x6218];
	_ =	sdelay $0x4  }
0xcd: {  	v7 =	vmul.f32 $5.120000000e+02, v7;
	_ =	sdelay $0x1  }
0xce: {  	v7 =	vtrunc.f32 v7  }
0xcf: {  	v7 =	vcvt.f32.s32 v7;
	_ =	sdelay $0x1  }
0xd0: {  	s30 =	simm.s32 $0x70;
	v7 =	vsub.s32 v7, v0  }
0xd1: {  	vm0 =	vlt.u32 v7, $0x10;
	v7 =	vadd.s32 s30, v5  }
0xd2: {  	[tilespmem:s17+$0x14C78] =	vst.msk vm0, v7  }
0xd3: {  	v7 =	vld [tilespmem:s17+$0x6228];
	_ =	sdelay $0x4  }
0xd4: {  	v7 =	vmul.f32 $5.120000000e+02, v7;
	_ =	sdelay $0x1  }
0xd5: {  	v7 =	vtrunc.f32 v7  }
0xd6: {  	v7 =	vcvt.f32.s32 v7  }
0xd7: {  	s31 =	simm.s32 $0x80  }
0xd8: {  	s19 =	sand.u32 $0xFF80, s31;
	s16 =	sand.u32 $0x60, s22;
	v7 =	vsub.s32 v7, v0  }
0xd9: {  	s16 =	sor.u32 s16, s19;
	vm0 =	vlt.u32 v7, $0x10;
	v7 =	vor.u32 s31, v5  }
0xda: {  	[tilespmem:s16+$0x14C08] =	vst.msk vm0, v7  }
0xdb: {  	v7 =	vld [tilespmem:s17+$0x6238];
	_ =	sdelay $0x4  }
0xdc: {  	v7 =	vmul.f32 $5.120000000e+02, v7;
	_ =	sdelay $0x1  }
0xdd: {  	v7 =	vtrunc.f32 v7  }
0xde: {  	v7 =	vcvt.f32.s32 v7;
	_ =	sdelay $0x1  }
0xdf: {  	s18 =	simm.s32 $0x90;
	v7 =	vsub.s32 v7, v0  }
0xe0: {  	s21 =	simm.s32 $0x500;
	s19 =	simm.s32 $0x280;
	s16 =	simm.s32 $0x0;
	vm0 =	vlt.u32 v7, $0x10;
	v7 =	vadd.s32 s18, v5  }
.LBB2_6:
0xe1: {  	[tilespmem:s17+$0x14C98] =	vst.msk vm0, v7;
	s17 =	sshra.s32 s19, $0x2  }
0xe2: {  	s18 =	sadd.s32 $0xA0, s18;
	s19 =	smov.u32 s21;
	s20 =	sadd.s32 $0x280, s21  }
0xe3: {  	p1 =	sne.s32 s21, $0x13600;
	v7 =	vld [tilespmem:s17+$0x61A8];
	_ =	sdelay $0x4  }
0xe4: {  	v7 =	vmul.f32 $5.120000000e+02, v7;
	_ =	sdelay $0x1  }
0xe5: {  	v7 =	vtrunc.f32 v7  }
0xe6: {  	v7 =	vcvt.f32.s32 v7;
	_ =	sdelay $0x1  }
0xe7: {  	s21 =	sadd.s32 $0xFFFFFF70, s18;
	v7 =	vsub.s32 v7, v0  }
0xe8: {  	vm0 =	vlt.u32 v7, $0x10;
	v7 =	vor.u32 s21, v5  }
0xe9: {  	[tilespmem:s17+$0x14C08] =	vst.msk vm0, v7  }
0xea: {  	v7 =	vld [tilespmem:s17+$0x61B8];
	_ =	sdelay $0x4  }
0xeb: {  	v7 =	vmul.f32 $5.120000000e+02, v7;
	_ =	sdelay $0x1  }
0xec: {  	v7 =	vtrunc.f32 v7  }
0xed: {  	v7 =	vcvt.f32.s32 v7;
	_ =	sdelay $0x1  }
0xee: {  	s22 =	sadd.s32 $0xFFFFFF80, s18;
	v7 =	vsub.s32 v7, v0  }
0xef: {  	vm0 =	vlt.u32 v7, $0x10;
	v7 =	vadd.s32 s22, v5  }
0xf0: {  	[tilespmem:s17+$0x14C18] =	vst.msk vm0, v7  }
0xf1: {  	v7 =	vld [tilespmem:s17+$0x61C8];
	_ =	sdelay $0x4  }
0xf2: {  	v7 =	vmul.f32 $5.120000000e+02, v7;
	_ =	sdelay $0x1  }
0xf3: {  	v7 =	vtrunc.f32 v7  }
0xf4: {  	v7 =	vcvt.f32.s32 v7;
	_ =	sdelay $0x1  }
0xf5: {  	s22 =	sadd.s32 $0xFFFFFF90, s18;
	v7 =	vsub.s32 v7, v0  }
0xf6: {  	vm0 =	vlt.u32 v7, $0x10;
	v7 =	vor.u32 s22, v5  }
0xf7: {  	[tilespmem:s17+$0x14C28] =	vst.msk vm0, v7  }
0xf8: {  	v7 =	vld [tilespmem:s17+$0x61D8];
	_ =	sdelay $0x4  }
0xf9: {  	v7 =	vmul.f32 $5.120000000e+02, v7;
	_ =	sdelay $0x1  }
0xfa: {  	v7 =	vtrunc.f32 v7  }
0xfb: {  	v7 =	vcvt.f32.s32 v7;
	_ =	sdelay $0x1  }
0xfc: {  	s22 =	sadd.s32 $0xFFFFFFA0, s18;
	v7 =	vsub.s32 v7, v0  }
0xfd: {  	vm0 =	vlt.u32 v7, $0x10;
	v7 =	vadd.s32 s22, v5  }
0xfe: {  	[tilespmem:s17+$0x14C38] =	vst.msk vm0, v7  }
0xff: {  	v7 =	vld [tilespmem:s17+$0x61E8];
	_ =	sdelay $0x4  }
0x100: {  	v7 =	vmul.f32 $5.120000000e+02, v7;
	_ =	sdelay $0x1  }
0x101: {  	v7 =	vtrunc.f32 v7  }
0x102: {  	v7 =	vcvt.f32.s32 v7;
	_ =	sdelay $0x1  }
0x103: {  	s22 =	sadd.s32 $0xFFFFFFB0, s18;
	v7 =	vsub.s32 v7, v0  }
0x104: {  	vm0 =	vlt.u32 v7, $0x10;
	v7 =	vor.u32 s22, v5  }
0x105: {  	[tilespmem:s17+$0x14C48] =	vst.msk vm0, v7  }
0x106: {  	v7 =	vld [tilespmem:s17+$0x61F8];
	_ =	sdelay $0x4  }
0x107: {  	v7 =	vmul.f32 $5.120000000e+02, v7;
	_ =	sdelay $0x1  }
0x108: {  	v7 =	vtrunc.f32 v7  }
0x109: {  	v7 =	vcvt.f32.s32 v7;
	_ =	sdelay $0x1  }
0x10a: {  	s22 =	sadd.s32 $0xFFFFFFC0, s18;
	v7 =	vsub.s32 v7, v0  }
0x10b: {  	vm0 =	vlt.u32 v7, $0x10;
	v7 =	vadd.s32 s22, v5  }
0x10c: {  	s22 =	sand.u32 $0x7FE0, s21;
	[tilespmem:s17+$0x14C58] =	vst.msk vm0, v7  }
0x10d: {  	v7 =	vld [tilespmem:s22+$0x6208];
	_ =	sdelay $0x4  }
0x10e: {  	v7 =	vmul.f32 $5.120000000e+02, v7;
	_ =	sdelay $0x1  }
0x10f: {  	v7 =	vtrunc.f32 v7  }
0x110: {  	v7 =	vcvt.f32.s32 v7;
	_ =	sdelay $0x1  }
0x111: {  	s22 =	sadd.s32 $0xFFFFFFD0, s18;
	v7 =	vsub.s32 v7, v0  }
0x112: {  	vm0 =	vlt.u32 v7, $0x10;
	v7 =	vor.u32 s22, v5  }
0x113: {  	[tilespmem:s17+$0x14C68] =	vst.msk vm0, v7  }
0x114: {  	v7 =	vld [tilespmem:s17+$0x6218];
	_ =	sdelay $0x4  }
0x115: {  	v7 =	vmul.f32 $5.120000000e+02, v7;
	_ =	sdelay $0x1  }
0x116: {  	v7 =	vtrunc.f32 v7  }
0x117: {  	v7 =	vcvt.f32.s32 v7;
	_ =	sdelay $0x1  }
0x118: {  	s22 =	sadd.s32 $0xFFFFFFE0, s18;
	v7 =	vsub.s32 v7, v0  }
0x119: {  	vm0 =	vlt.u32 v7, $0x10;
	v7 =	vadd.s32 s22, v5  }
0x11a: {  	[tilespmem:s17+$0x14C78] =	vst.msk vm0, v7  }
0x11b: {  	v7 =	vld [tilespmem:s17+$0x6228];
	_ =	sdelay $0x4  }
0x11c: {  	v7 =	vmul.f32 $5.120000000e+02, v7;
	_ =	sdelay $0x1  }
0x11d: {  	v7 =	vtrunc.f32 v7  }
0x11e: {  	v7 =	vcvt.f32.s32 v7  }
0x11f: {  	s22 =	sadd.s32 $0xFFFFFFF0, s18  }
0x120: {  	s21 =	sand.u32 $0x60, s21;
	s23 =	sand.u32 $0xFF80, s22;
	v7 =	vsub.s32 v7, v0  }
0x121: {  	s21 =	sor.u32 s21, s23;
	vm0 =	vlt.u32 v7, $0x10;
	v7 =	vor.u32 s22, v5  }
0x122: {  	[tilespmem:s21+$0x14C08] =	vst.msk vm0, v7  }
0x123: {  	v7 =	vld [tilespmem:s17+$0x6238];
	_ =	sdelay $0x4  }
0x124: {  	v7 =	vmul.f32 $5.120000000e+02, v7;
	_ =	sdelay $0x1  }
.Ltmp2:
0x125: {  	v7 =	vtrunc.f32 v7;
	(pc) =	sbr.rel @p1 .LBB2_6-.Ltmp2, $3  }
0x126: {  	v7 =	vcvt.f32.s32 v7;
	_ =	sdelay $0x1  }
0x127: {  	v7 =	vsub.s32 v7, v0  }
0x128: {  	s21 =	smov.u32 s20;
	vm0 =	vlt.u32 v7, $0x10;
	v7 =	vadd.s32 s18, v5  }
0x129: {  	s19 =	sshra.s32 s19, $0x2;
	[tilespmem:s17+$0x14C98] =	vst.msk vm0, v7  }
0x12a: {  	v7 =	vld [tilespmem:s19+$0x61A8];
	_ =	sdelay $0x4  }
0x12b: {  	v7 =	vmul.f32 $5.120000000e+02, v7;
	_ =	sdelay $0x1  }
0x12c: {  	v7 =	vtrunc.f32 v7  }
0x12d: {  	v7 =	vcvt.f32.s32 v7  }
0x12e: {  	s22 =	sadd.s32 $0xA0, s18  }
0x12f: {  	s18 =	sadd.s32 $0xFFFFFF70, s22;
	v7 =	vsub.s32 v7, v0  }
0x130: {  	vm6 =	vlt.u32 v7, $0x10;
	v7 =	vor.u32 s18, v5  }
0x131: {  	[tilespmem:s19+$0x14C08] =	vst.msk vm6, v7  }
0x132: {  	v7 =	vld [tilespmem:s19+$0x61B8];
	_ =	sdelay $0x4  }
0x133: {  	v7 =	vmul.f32 $5.120000000e+02, v7;
	_ =	sdelay $0x1  }
0x134: {  	v7 =	vtrunc.f32 v7  }
0x135: {  	v7 =	vcvt.f32.s32 v7;
	_ =	sdelay $0x1  }
0x136: {  	s20 =	sadd.s32 $0xFFFFFF80, s22;
	v7 =	vsub.s32 v7, v0  }
0x137: {  	vm7 =	vlt.u32 v7, $0x10;
	v7 =	vadd.s32 s20, v5  }
0x138: {  	[tilespmem:s19+$0x14C18] =	vst.msk vm7, v7  }
0x139: {  	v7 =	vld [tilespmem:s19+$0x61C8];
	_ =	sdelay $0x4  }
0x13a: {  	v7 =	vmul.f32 $5.120000000e+02, v7;
	_ =	sdelay $0x1  }
0x13b: {  	v7 =	vtrunc.f32 v7  }
0x13c: {  	v7 =	vcvt.f32.s32 v7;
	_ =	sdelay $0x1  }
0x13d: {  	s23 =	sadd.s32 $0xFFFFFF90, s22;
	v7 =	vsub.s32 v7, v0  }
0x13e: {  	vm8 =	vlt.u32 v7, $0x10;
	v7 =	vor.u32 s23, v5  }
0x13f: {  	[tilespmem:s19+$0x14C28] =	vst.msk vm8, v7  }
0x140: {  	v7 =	vld [tilespmem:s19+$0x61D8];
	_ =	sdelay $0x4  }
0x141: {  	v7 =	vmul.f32 $5.120000000e+02, v7;
	_ =	sdelay $0x1  }
0x142: {  	v7 =	vtrunc.f32 v7  }
0x143: {  	v7 =	vcvt.f32.s32 v7;
	_ =	sdelay $0x1  }
0x144: {  	s24 =	sadd.s32 $0xFFFFFFA0, s22;
	v7 =	vsub.s32 v7, v0  }
0x145: {  	vm9 =	vlt.u32 v7, $0x10;
	v7 =	vadd.s32 s24, v5  }
0x146: {  	[tilespmem:s19+$0x14C38] =	vst.msk vm9, v7  }
0x147: {  	v7 =	vld [tilespmem:s19+$0x61E8];
	_ =	sdelay $0x4  }
0x148: {  	v7 =	vmul.f32 $5.120000000e+02, v7;
	_ =	sdelay $0x1  }
0x149: {  	v7 =	vtrunc.f32 v7  }
0x14a: {  	v7 =	vcvt.f32.s32 v7;
	_ =	sdelay $0x1  }
0x14b: {  	s25 =	sadd.s32 $0xFFFFFFB0, s22;
	v7 =	vsub.s32 v7, v0  }
0x14c: {  	vm10 =	vlt.u32 v7, $0x10;
	v7 =	vor.u32 s25, v5  }
0x14d: {  	[tilespmem:s19+$0x14C48] =	vst.msk vm10, v7  }
0x14e: {  	v7 =	vld [tilespmem:s19+$0x61F8];
	_ =	sdelay $0x4  }
0x14f: {  	v7 =	vmul.f32 $5.120000000e+02, v7;
	_ =	sdelay $0x1  }
0x150: {  	v7 =	vtrunc.f32 v7  }
0x151: {  	v7 =	vcvt.f32.s32 v7;
	_ =	sdelay $0x1  }
0x152: {  	s26 =	sadd.s32 $0xFFFFFFC0, s22;
	v7 =	vsub.s32 v7, v0  }
0x153: {  	vm11 =	vlt.u32 v7, $0x10;
	v7 =	vadd.s32 s26, v5  }
0x154: {  	s28 =	sand.u32 $0x7FE0, s18;
	[tilespmem:s19+$0x14C58] =	vst.msk vm11, v7  }
0x155: {  	v7 =	vld [tilespmem:s28+$0x6208];
	_ =	sdelay $0x4  }
0x156: {  	v7 =	vmul.f32 $5.120000000e+02, v7;
	_ =	sdelay $0x1  }
0x157: {  	v7 =	vtrunc.f32 v7  }
0x158: {  	v7 =	vcvt.f32.s32 v7;
	_ =	sdelay $0x1  }
0x159: {  	s29 =	sadd.s32 $0xFFFFFFD0, s22;
	v7 =	vsub.s32 v7, v0  }
0x15a: {  	vm12 =	vlt.u32 v7, $0x10;
	v7 =	vor.u32 s29, v5  }
0x15b: {  	[tilespmem:s19+$0x14C68] =	vst.msk vm12, v7  }
0x15c: {  	v7 =	vld [tilespmem:s19+$0x6218];
	_ =	sdelay $0x4  }
0x15d: {  	v7 =	vmul.f32 $5.120000000e+02, v7;
	_ =	sdelay $0x1  }
0x15e: {  	v7 =	vtrunc.f32 v7  }
0x15f: {  	v7 =	vcvt.f32.s32 v7;
	_ =	sdelay $0x1  }
0x160: {  	s30 =	sadd.s32 $0xFFFFFFE0, s22;
	v7 =	vsub.s32 v7, v0  }
0x161: {  	vm13 =	vlt.u32 v7, $0x10;
	v7 =	vadd.s32 s30, v5  }
0x162: {  	[tilespmem:s19+$0x14C78] =	vst.msk vm13, v7  }
0x163: {  	v7 =	vld [tilespmem:s19+$0x6228];
	_ =	sdelay $0x4  }
0x164: {  	v7 =	vmul.f32 $5.120000000e+02, v7;
	_ =	sdelay $0x1  }
0x165: {  	v7 =	vtrunc.f32 v7  }
0x166: {  	v7 =	vcvt.f32.s32 v7  }
0x167: {  	s31 =	sadd.s32 $0xFFFFFFF0, s22  }
0x168: {  	s21 =	sand.u32 $0xFF80, s31;
	s18 =	sand.u32 $0x60, s18;
	v7 =	vsub.s32 v7, v0  }
0x169: {  	s18 =	sor.u32 s18, s21;
	vm14 =	vlt.u32 v7, $0x10;
	v7 =	vor.u32 s31, v5  }
0x16a: {  	[tilespmem:s18+$0x14C08] =	vst.msk vm14, v7  }
0x16b: {  	v7 =	vld [tilespmem:s19+$0x6238];
	_ =	sdelay $0x4  }
0x16c: {  	v7 =	vmul.f32 $5.120000000e+02, v7;
	_ =	sdelay $0x1  }
0x16d: {  	v7 =	vtrunc.f32 v7  }
0x16e: {  	v7 =	vcvt.f32.s32 v7;
	_ =	sdelay $0x1  }
0x16f: {  	v7 =	vsub.s32 v7, v0  }
0x170: {  	vm15 =	vlt.u32 v7, $0x10;
	v7 =	vadd.s32 s22, v5  }
0x171: {  	s17 =	simm.s32 $0x14C58;
	[tilespmem:s19+$0x14C98] =	vst.msk vm15, v7;
	v7 =	vimm.s32 $0x0  }
.LBB2_8:
0x172: {  	v8 =	vld [tilespmem:s17+$0xFFFFFFB0];
	_ =	sdelay $0x4  }
0x173: {  	vm0 =	vgt.s32 v8, $0x0  }
0x174: {  	v9 =	vmpcnt.ones.xlane vm0  }
0x175: {  	v10 =	vadd.s32 v3, v7  }
0x176: {  	vm1 =	vlt.u32 v10, $0x400;
	vm0 =	vgt.s32 v9, v3  }
0x177: {  	vm0 =	vmand vm1, vm0;
	_ =	sdelay $0x4  }
0x178: {  	v8 =	vadd.s32 $0xFFFFFFFF, v8  }
0x179: {  	[tilespmem:v10+s11+$0x0] =	vst.idx.msk vm0, v8  }
0x17a: {  	v8 =	vld [tilespmem:s17+$0xFFFFFFC0];
	_ =	sdelay $0x4  }
0x17b: {  	vm10 =	vgt.s32 v8, $0x0  }
0x17c: {  	v7 =	vadd.s32 v7, v9;
	v46 =	vmpcnt.ones.xlane vm10  }
0x17d: {  	v47 =	vadd.s32 v3, v7  }
0x17e: {  	vm11 =	vlt.u32 v47, $0x400;
	vm0 =	vgt.s32 v46, v3  }
0x17f: {  	vm0 =	vmand vm11, vm0;
	_ =	sdelay $0x4  }
0x180: {  	v8 =	vadd.s32 $0xFFFFFFFF, v8  }
0x181: {  	[tilespmem:v47+s11+$0x0] =	vst.idx.msk vm0, v8  }
0x182: {  	v8 =	vld [tilespmem:s17+$0xFFFFFFD0];
	_ =	sdelay $0x4  }
0x183: {  	vm12 =	vgt.s32 v8, $0x0  }
0x184: {  	v7 =	vadd.s32 v7, v46;
	v48 =	vmpcnt.ones.xlane vm12  }
0x185: {  	v49 =	vadd.s32 v3, v7  }
0x186: {  	vm13 =	vlt.u32 v49, $0x400;
	vm0 =	vgt.s32 v48, v3  }
0x187: {  	vm0 =	vmand vm13, vm0;
	_ =	sdelay $0x4  }
0x188: {  	v8 =	vadd.s32 $0xFFFFFFFF, v8  }
0x189: {  	[tilespmem:v49+s11+$0x0] =	vst.idx.msk vm0, v8  }
0x18a: {  	v8 =	vld [tilespmem:s17+$0xFFFFFFE0];
	_ =	sdelay $0x4  }
0x18b: {  	vm14 =	vgt.s32 v8, $0x0  }
0x18c: {  	v7 =	vadd.s32 v7, v48;
	v50 =	vmpcnt.ones.xlane vm14  }
0x18d: {  	v51 =	vadd.s32 v3, v7  }
0x18e: {  	vm15 =	vlt.u32 v51, $0x400;
	vm0 =	vgt.s32 v50, v3  }
0x18f: {  	vm0 =	vmand vm15, vm0;
	_ =	sdelay $0x4  }
0x190: {  	v8 =	vadd.s32 $0xFFFFFFFF, v8  }
0x191: {  	[tilespmem:v51+s11+$0x0] =	vst.idx.msk vm0, v8  }
0x192: {  	v8 =	vld [tilespmem:s17+$0xFFFFFFF0];
	_ =	sdelay $0x4  }
0x193: {  	vm4 =	vgt.s32 v8, $0x0  }
0x194: {  	v7 =	vadd.s32 v7, v50;
	v52 =	vmpcnt.ones.xlane vm4  }
0x195: {  	v53 =	vadd.s32 v3, v7  }
0x196: {  	vm5 =	vlt.u32 v53, $0x400;
	vm0 =	vgt.s32 v52, v3  }
0x197: {  	vm0 =	vmand vm5, vm0;
	_ =	sdelay $0x4  }
0x198: {  	v8 =	vadd.s32 $0xFFFFFFFF, v8  }
0x199: {  	[tilespmem:v53+s11+$0x0] =	vst.idx.msk vm0, v8  }
0x19a: {  	v8 =	vld [tilespmem:s17+$0x0];
	_ =	sdelay $0x4  }
0x19b: {  	vm6 =	vgt.s32 v8, $0x0  }
0x19c: {  	v7 =	vadd.s32 v7, v52;
	v54 =	vmpcnt.ones.xlane vm6  }
0x19d: {  	v55 =	vadd.s32 v3, v7  }
0x19e: {  	vm7 =	vlt.u32 v55, $0x400;
	vm0 =	vgt.s32 v54, v3  }
0x19f: {  	vm0 =	vmand vm7, vm0;
	_ =	sdelay $0x4  }
0x1a0: {  	v8 =	vadd.s32 $0xFFFFFFFF, v8  }
0x1a1: {  	[tilespmem:v55+s11+$0x0] =	vst.idx.msk vm0, v8  }
0x1a2: {  	v8 =	vld [tilespmem:s17+$0x10];
	_ =	sdelay $0x4  }
0x1a3: {  	vm8 =	vgt.s32 v8, $0x0  }
0x1a4: {  	v7 =	vadd.s32 v7, v54;
	v56 =	vmpcnt.ones.xlane vm8  }
0x1a5: {  	v57 =	vadd.s32 v3, v7  }
0x1a6: {  	vm9 =	vlt.u32 v57, $0x400;
	vm0 =	vgt.s32 v56, v3  }
0x1a7: {  	vm0 =	vmand vm9, vm0;
	_ =	sdelay $0x4  }
0x1a8: {  	v8 =	vadd.s32 $0xFFFFFFFF, v8  }
0x1a9: {  	[tilespmem:v57+s11+$0x0] =	vst.idx.msk vm0, v8  }
0x1aa: {  	v8 =	vld [tilespmem:s17+$0x20];
	_ =	sdelay $0x4  }
0x1ab: {  	vm10 =	vgt.s32 v8, $0x0  }
0x1ac: {  	v7 =	vadd.s32 v7, v56;
	v58 =	vmpcnt.ones.xlane vm10  }
0x1ad: {  	v59 =	vadd.s32 v3, v7  }
0x1ae: {  	vm11 =	vlt.u32 v59, $0x400;
	vm0 =	vgt.s32 v58, v3  }
0x1af: {  	vm0 =	vmand vm11, vm0;
	_ =	sdelay $0x4  }
0x1b0: {  	v8 =	vadd.s32 $0xFFFFFFFF, v8  }
0x1b1: {  	s18 =	sand.u32 $0x7FE0, s16;
	[tilespmem:v59+s11+$0x0] =	vst.idx.msk vm0, v8  }
0x1b2: {  	v8 =	vld [tilespmem:s18+$0x14C88];
	_ =	sdelay $0x4  }
0x1b3: {  	vm12 =	vgt.s32 v8, $0x0  }
0x1b4: {  	v7 =	vadd.s32 v7, v58;
	v60 =	vmpcnt.ones.xlane vm12  }
0x1b5: {  	v61 =	vadd.s32 v3, v7  }
0x1b6: {  	vm13 =	vlt.u32 v61, $0x400;
	vm0 =	vgt.s32 v60, v3  }
0x1b7: {  	vm0 =	vmand vm13, vm0;
	_ =	sdelay $0x4  }
0x1b8: {  	v8 =	vadd.s32 $0xFFFFFFFF, v8  }
0x1b9: {  	[tilespmem:v61+s11+$0x0] =	vst.idx.msk vm0, v8  }
0x1ba: {  	v8 =	vld [tilespmem:s17+$0x40];
	_ =	sdelay $0x4  }
0x1bb: {  	vm14 =	vgt.s32 v8, $0x0  }
0x1bc: {  	v7 =	vadd.s32 v7, v60;
	v62 =	vmpcnt.ones.xlane vm14  }
0x1bd: {  	v63 =	vadd.s32 v3, v7  }
0x1be: {  	vm15 =	vlt.u32 v63, $0x400;
	vm0 =	vgt.s32 v62, v3  }
0x1bf: {  	vm0 =	vmand vm15, vm0  }
0x1c0: {  	p1 =	sne.s32 s16, $0x4D80  }
.Ltmp3:
0x1c1: {  	_ = 	snop;
	(pc) =	sbr.rel @p1 .LBB2_8-.Ltmp3, $3  }
0x1c2: {  	_ =	sdelay $0x1  }
0x1c3: {  	v8 =	vadd.s32 $0xFFFFFFFF, v8  }
0x1c4: {  	s16 =	sadd.s32 $0xA0, s16;
	s17 =	sadd.s32 $0xA0, s17;
	v7 =	vadd.s32 v7, v62;
	[tilespmem:v63+s11+$0x0] =	vst.idx.msk vm0, v8  }
0x1c5: {  	s16 =	simm.s32 $0x70;
	s17 =	simm.s32 $0x19AC8  }
.LBB2_10:
0x1c6: {  	v8 =	vld [tilespmem:s17+$0xFFFFFFC0]  }
0x1c7: {  	s18 =	sadd.s32 $0xFFFFFF90, s16  }
0x1c8: {  	v9 =	vor.u32 s18, v3  }
0x1c9: {  	vm0 =	vlt.s32 v9, v7;
	_ =	sdelay $0x1  }
0x1ca: {  	v19 =	vadd.s32 $0x4E20, v8;
	_ =	sdelay $0x3  }
0x1cb: {  	v10 =	vld.idx.msk [tilespmem:v8+s9+$0x0], vm0  }
0x1cc: {  	v9 =	vld.idx.msk [tilespmem:v19+s9+$0x0], vm0;
	_ =	sdelay $0x4  }
0x1cd: {  	v10 =	vmul.f32 $5.120000000e+02, v10;
	v9 =	vmul.f32 $5.120000000e+02, v9;
	_ =	sdelay $0x1  }
0x1ce: {  	v10 =	vtrunc.f32 v10;
	v9 =	vtrunc.f32 v9  }
0x1cf: {  	v10 =	vcvt.f32.s32 v10;
	v9 =	vcvt.f32.s32 v9  }
0x1d0: {  	v11 =	vadd.s32 $0x9C40, v8  }
0x1d1: {  	v8 =	vadd.s32 $0xEA60, v8;
	v12 =	vadd.s32 v10, v1;
	v9 =	vshll.u32 v9, $0x9  }
0x1d2: {  	v9 =	vadd.s32 v9, v12  }
0x1d3: {  	v10 =	vand.u32 $0x7F, v10;
	v9 =	vand.u32 $0xFFFFFF80, v9  }
0x1d4: {  	v9 =	vor.u32 v10, v9  }
0x1d5: {  	v20 =	vld.idx.msk [tilespmem:v11+s9+$0x0], vm0  }
0x1d6: {  	v8 =	vld.idx.msk [tilespmem:v8+s9+$0x0], vm0;
	v21 =	vadd.s32 $0x2000, v9;
	_ =	sdelay $0x2  }
0x1d7: {  	[tilespmem:v9+s12+$0x0] =	vst.idx.msk vm0, v6  }
0x1d8: {  	[tilespmem:v9+s13+$0x0] =	vst.idx.msk vm0, v20  }
0x1d9: {  	[tilespmem:v21+s13+$0x0] =	vst.idx.msk vm0, v8  }
0x1da: {  	v8 =	vld [tilespmem:s17+$0xFFFFFFD0]  }
0x1db: {  	s25 =	sadd.s32 $0xFFFFFFA0, s16  }
0x1dc: {  	v22 =	vor.u32 s25, v3  }
0x1dd: {  	vm9 =	vlt.s32 v22, v7;
	_ =	sdelay $0x1  }
0x1de: {  	v23 =	vadd.s32 $0x4E20, v8;
	_ =	sdelay $0x3  }
0x1df: {  	v10 =	vld.idx.msk [tilespmem:v8+s9+$0x0], vm9  }
0x1e0: {  	v9 =	vld.idx.msk [tilespmem:v23+s9+$0x0], vm9;
	_ =	sdelay $0x4  }
0x1e1: {  	v10 =	vmul.f32 $5.120000000e+02, v10;
	v9 =	vmul.f32 $5.120000000e+02, v9;
	_ =	sdelay $0x1  }
0x1e2: {  	v10 =	vtrunc.f32 v10;
	v9 =	vtrunc.f32 v9  }
0x1e3: {  	v10 =	vcvt.f32.s32 v10;
	v9 =	vcvt.f32.s32 v9  }
0x1e4: {  	v24 =	vadd.s32 $0x9C40, v8  }
0x1e5: {  	v8 =	vadd.s32 $0xEA60, v8;
	v25 =	vadd.s32 v10, v1;
	v9 =	vshll.u32 v9, $0x9  }
0x1e6: {  	v9 =	vadd.s32 v9, v25  }
0x1e7: {  	v10 =	vand.u32 $0x7F, v10;
	v9 =	vand.u32 $0xFFFFFF80, v9  }
0x1e8: {  	v9 =	vor.u32 v10, v9  }
0x1e9: {  	v26 =	vld.idx.msk [tilespmem:v24+s9+$0x0], vm9  }
0x1ea: {  	v8 =	vld.idx.msk [tilespmem:v8+s9+$0x0], vm9;
	v27 =	vadd.s32 $0x2000, v9;
	_ =	sdelay $0x2  }
0x1eb: {  	[tilespmem:v9+s12+$0x0] =	vst.idx.msk vm9, v6  }
0x1ec: {  	[tilespmem:v9+s13+$0x0] =	vst.idx.msk vm9, v26  }
0x1ed: {  	[tilespmem:v27+s13+$0x0] =	vst.idx.msk vm9, v8  }
0x1ee: {  	v8 =	vld [tilespmem:s17+$0xFFFFFFE0]  }
0x1ef: {  	s26 =	sadd.s32 $0xFFFFFFB0, s16  }
0x1f0: {  	v28 =	vor.u32 s26, v3  }
0x1f1: {  	vm10 =	vlt.s32 v28, v7;
	_ =	sdelay $0x1  }
0x1f2: {  	v29 =	vadd.s32 $0x4E20, v8;
	_ =	sdelay $0x3  }
0x1f3: {  	v10 =	vld.idx.msk [tilespmem:v8+s9+$0x0], vm10  }
0x1f4: {  	v9 =	vld.idx.msk [tilespmem:v29+s9+$0x0], vm10;
	_ =	sdelay $0x4  }
0x1f5: {  	v10 =	vmul.f32 $5.120000000e+02, v10;
	v9 =	vmul.f32 $5.120000000e+02, v9;
	_ =	sdelay $0x1  }
0x1f6: {  	v10 =	vtrunc.f32 v10;
	v9 =	vtrunc.f32 v9  }
0x1f7: {  	v10 =	vcvt.f32.s32 v10;
	v9 =	vcvt.f32.s32 v9  }
0x1f8: {  	v30 =	vadd.s32 $0x9C40, v8  }
0x1f9: {  	v8 =	vadd.s32 $0xEA60, v8;
	v31 =	vadd.s32 v10, v1;
	v9 =	vshll.u32 v9, $0x9  }
0x1fa: {  	v9 =	vadd.s32 v9, v31  }
0x1fb: {  	v10 =	vand.u32 $0x7F, v10;
	v9 =	vand.u32 $0xFFFFFF80, v9  }
0x1fc: {  	v9 =	vor.u32 v10, v9  }
0x1fd: {  	v32 =	vld.idx.msk [tilespmem:v30+s9+$0x0], vm10  }
0x1fe: {  	v8 =	vld.idx.msk [tilespmem:v8+s9+$0x0], vm10;
	v33 =	vadd.s32 $0x2000, v9;
	_ =	sdelay $0x2  }
0x1ff: {  	[tilespmem:v9+s12+$0x0] =	vst.idx.msk vm10, v6  }
0x200: {  	[tilespmem:v9+s13+$0x0] =	vst.idx.msk vm10, v32  }
0x201: {  	[tilespmem:v33+s13+$0x0] =	vst.idx.msk vm10, v8  }
0x202: {  	v8 =	vld [tilespmem:s17+$0xFFFFFFF0]  }
0x203: {  	s28 =	sadd.s32 $0xFFFFFFC0, s16  }
0x204: {  	v34 =	vor.u32 s28, v3  }
0x205: {  	vm11 =	vlt.s32 v34, v7;
	_ =	sdelay $0x1  }
0x206: {  	v35 =	vadd.s32 $0x4E20, v8;
	_ =	sdelay $0x3  }
0x207: {  	v10 =	vld.idx.msk [tilespmem:v8+s9+$0x0], vm11  }
0x208: {  	v9 =	vld.idx.msk [tilespmem:v35+s9+$0x0], vm11;
	_ =	sdelay $0x4  }
0x209: {  	v10 =	vmul.f32 $5.120000000e+02, v10;
	v9 =	vmul.f32 $5.120000000e+02, v9;
	_ =	sdelay $0x1  }
0x20a: {  	v10 =	vtrunc.f32 v10;
	v9 =	vtrunc.f32 v9  }
0x20b: {  	v10 =	vcvt.f32.s32 v10;
	v9 =	vcvt.f32.s32 v9  }
0x20c: {  	v36 =	vadd.s32 $0x9C40, v8  }
0x20d: {  	v8 =	vadd.s32 $0xEA60, v8;
	v37 =	vadd.s32 v10, v1;
	v9 =	vshll.u32 v9, $0x9  }
0x20e: {  	v9 =	vadd.s32 v9, v37  }
0x20f: {  	v10 =	vand.u32 $0x7F, v10;
	v9 =	vand.u32 $0xFFFFFF80, v9  }
0x210: {  	v9 =	vor.u32 v10, v9  }
0x211: {  	v38 =	vld.idx.msk [tilespmem:v36+s9+$0x0], vm11  }
0x212: {  	v8 =	vld.idx.msk [tilespmem:v8+s9+$0x0], vm11;
	v39 =	vadd.s32 $0x2000, v9;
	_ =	sdelay $0x2  }
0x213: {  	[tilespmem:v9+s12+$0x0] =	vst.idx.msk vm11, v6  }
0x214: {  	[tilespmem:v9+s13+$0x0] =	vst.idx.msk vm11, v38  }
0x215: {  	[tilespmem:v39+s13+$0x0] =	vst.idx.msk vm11, v8  }
0x216: {  	v8 =	vld [tilespmem:s17+$0x0]  }
0x217: {  	s29 =	sadd.s32 $0xFFFFFFD0, s16  }
0x218: {  	v40 =	vor.u32 s29, v3  }
0x219: {  	vm12 =	vlt.s32 v40, v7;
	_ =	sdelay $0x1  }
0x21a: {  	v41 =	vadd.s32 $0x4E20, v8;
	_ =	sdelay $0x3  }
0x21b: {  	v10 =	vld.idx.msk [tilespmem:v8+s9+$0x0], vm12  }
0x21c: {  	v9 =	vld.idx.msk [tilespmem:v41+s9+$0x0], vm12;
	_ =	sdelay $0x4  }
0x21d: {  	v10 =	vmul.f32 $5.120000000e+02, v10;
	v9 =	vmul.f32 $5.120000000e+02, v9;
	_ =	sdelay $0x1  }
0x21e: {  	v10 =	vtrunc.f32 v10;
	v9 =	vtrunc.f32 v9  }
0x21f: {  	v10 =	vcvt.f32.s32 v10;
	v9 =	vcvt.f32.s32 v9  }
0x220: {  	v42 =	vadd.s32 $0x9C40, v8  }
0x221: {  	v8 =	vadd.s32 $0xEA60, v8;
	v43 =	vadd.s32 v10, v1;
	v9 =	vshll.u32 v9, $0x9  }
0x222: {  	v9 =	vadd.s32 v9, v43  }
0x223: {  	v10 =	vand.u32 $0x7F, v10;
	v9 =	vand.u32 $0xFFFFFF80, v9  }
0x224: {  	v9 =	vor.u32 v10, v9  }
0x225: {  	v44 =	vld.idx.msk [tilespmem:v42+s9+$0x0], vm12  }
0x226: {  	v8 =	vld.idx.msk [tilespmem:v8+s9+$0x0], vm12;
	v45 =	vadd.s32 $0x2000, v9;
	_ =	sdelay $0x2  }
0x227: {  	[tilespmem:v9+s12+$0x0] =	vst.idx.msk vm12, v6  }
0x228: {  	[tilespmem:v9+s13+$0x0] =	vst.idx.msk vm12, v44  }
0x229: {  	[tilespmem:v45+s13+$0x0] =	vst.idx.msk vm12, v8  }
0x22a: {  	v8 =	vld [tilespmem:s17+$0x10]  }
0x22b: {  	s30 =	sadd.s32 $0xFFFFFFE0, s16  }
0x22c: {  	v46 =	vor.u32 s30, v3  }
0x22d: {  	vm13 =	vlt.s32 v46, v7;
	_ =	sdelay $0x1  }
0x22e: {  	v47 =	vadd.s32 $0x4E20, v8;
	_ =	sdelay $0x3  }
0x22f: {  	v10 =	vld.idx.msk [tilespmem:v8+s9+$0x0], vm13  }
0x230: {  	v9 =	vld.idx.msk [tilespmem:v47+s9+$0x0], vm13;
	_ =	sdelay $0x4  }
0x231: {  	v10 =	vmul.f32 $5.120000000e+02, v10;
	v9 =	vmul.f32 $5.120000000e+02, v9;
	_ =	sdelay $0x1  }
0x232: {  	v10 =	vtrunc.f32 v10;
	v9 =	vtrunc.f32 v9  }
0x233: {  	v10 =	vcvt.f32.s32 v10;
	v9 =	vcvt.f32.s32 v9  }
0x234: {  	v48 =	vadd.s32 $0x9C40, v8  }
0x235: {  	v8 =	vadd.s32 $0xEA60, v8;
	v49 =	vadd.s32 v10, v1;
	v9 =	vshll.u32 v9, $0x9  }
0x236: {  	v9 =	vadd.s32 v9, v49  }
0x237: {  	v10 =	vand.u32 $0x7F, v10;
	v9 =	vand.u32 $0xFFFFFF80, v9  }
0x238: {  	v9 =	vor.u32 v10, v9  }
0x239: {  	v50 =	vld.idx.msk [tilespmem:v48+s9+$0x0], vm13  }
0x23a: {  	v8 =	vld.idx.msk [tilespmem:v8+s9+$0x0], vm13;
	v51 =	vadd.s32 $0x2000, v9;
	_ =	sdelay $0x2  }
0x23b: {  	[tilespmem:v9+s12+$0x0] =	vst.idx.msk vm13, v6  }
0x23c: {  	[tilespmem:v9+s13+$0x0] =	vst.idx.msk vm13, v50  }
0x23d: {  	[tilespmem:v51+s13+$0x0] =	vst.idx.msk vm13, v8  }
0x23e: {  	v8 =	vld [tilespmem:s17+$0x20]  }
0x23f: {  	s31 =	sadd.s32 $0xFFFFFFF0, s16  }
0x240: {  	v52 =	vor.u32 s31, v3  }
0x241: {  	vm14 =	vlt.s32 v52, v7;
	_ =	sdelay $0x1  }
0x242: {  	v53 =	vadd.s32 $0x4E20, v8;
	_ =	sdelay $0x3  }
0x243: {  	v10 =	vld.idx.msk [tilespmem:v8+s9+$0x0], vm14  }
0x244: {  	v9 =	vld.idx.msk [tilespmem:v53+s9+$0x0], vm14;
	_ =	sdelay $0x4  }
0x245: {  	v10 =	vmul.f32 $5.120000000e+02, v10;
	v9 =	vmul.f32 $5.120000000e+02, v9;
	_ =	sdelay $0x1  }
0x246: {  	v10 =	vtrunc.f32 v10;
	v9 =	vtrunc.f32 v9  }
0x247: {  	v10 =	vcvt.f32.s32 v10;
	v9 =	vcvt.f32.s32 v9  }
0x248: {  	v54 =	vadd.s32 $0x9C40, v8  }
0x249: {  	v8 =	vadd.s32 $0xEA60, v8;
	v55 =	vadd.s32 v10, v1;
	v9 =	vshll.u32 v9, $0x9  }
0x24a: {  	v9 =	vadd.s32 v9, v55  }
0x24b: {  	v10 =	vand.u32 $0x7F, v10;
	v9 =	vand.u32 $0xFFFFFF80, v9  }
0x24c: {  	v9 =	vor.u32 v10, v9  }
0x24d: {  	v56 =	vld.idx.msk [tilespmem:v54+s9+$0x0], vm14  }
0x24e: {  	v8 =	vld.idx.msk [tilespmem:v8+s9+$0x0], vm14;
	v57 =	vadd.s32 $0x2000, v9;
	_ =	sdelay $0x2  }
0x24f: {  	[tilespmem:v9+s12+$0x0] =	vst.idx.msk vm14, v6  }
0x250: {  	[tilespmem:v9+s13+$0x0] =	vst.idx.msk vm14, v56  }
0x251: {  	[tilespmem:v57+s13+$0x0] =	vst.idx.msk vm14, v8  }
0x252: {  	v8 =	vld [tilespmem:s17+$0x30];
	_ =	sdelay $0x1  }
0x253: {  	v58 =	vor.u32 s16, v3  }
0x254: {  	vm15 =	vlt.s32 v58, v7;
	_ =	sdelay $0x1  }
0x255: {  	v59 =	vadd.s32 $0x4E20, v8;
	_ =	sdelay $0x3  }
0x256: {  	v10 =	vld.idx.msk [tilespmem:v8+s9+$0x0], vm15  }
0x257: {  	v9 =	vld.idx.msk [tilespmem:v59+s9+$0x0], vm15;
	_ =	sdelay $0x4  }
0x258: {  	v10 =	vmul.f32 $5.120000000e+02, v10;
	v9 =	vmul.f32 $5.120000000e+02, v9;
	_ =	sdelay $0x1  }
0x259: {  	v10 =	vtrunc.f32 v10;
	v9 =	vtrunc.f32 v9  }
0x25a: {  	v10 =	vcvt.f32.s32 v10;
	v9 =	vcvt.f32.s32 v9  }
0x25b: {  	v60 =	vadd.s32 $0x9C40, v8  }
0x25c: {  	v8 =	vadd.s32 $0xEA60, v8;
	v61 =	vadd.s32 v10, v1;
	v9 =	vshll.u32 v9, $0x9  }
0x25d: {  	v9 =	vadd.s32 v9, v61  }
0x25e: {  	v10 =	vand.u32 $0x7F, v10;
	v9 =	vand.u32 $0xFFFFFF80, v9  }
0x25f: {  	v9 =	vor.u32 v10, v9  }
0x260: {  	v62 =	vld.idx.msk [tilespmem:v60+s9+$0x0], vm15  }
0x261: {  	p1 =	sne.s32 s16, $0x3F0;
	v8 =	vld.idx.msk [tilespmem:v8+s9+$0x0], vm15;
	v63 =	vadd.s32 $0x2000, v9  }
.Ltmp4:
0x262: {  	_ = 	snop;
	(pc) =	sbr.rel @p1 .LBB2_10-.Ltmp4, $4  }
0x263: {  	_ = 	snop  }
0x264: {  	[tilespmem:v9+s12+$0x0] =	vst.idx.msk vm15, v6  }
0x265: {  	[tilespmem:v9+s13+$0x0] =	vst.idx.msk vm15, v62  }
0x266: {  	s16 =	sadd.s32 $0x80, s16;
	s17 =	sadd.s32 $0x80, s17;
	[tilespmem:v63+s13+$0x0] =	vst.idx.msk vm15, v8  }
0x267: {  	[hbm4b:s5+s3] =	stream.linear.scatter [tilespmem:s12], [sflag:$0x2], $0x2000, $0x38;
	[tilespmem:$0x1FE88] =	vst v63  }
0x268: {  	_ =	swait.ge [sflag:s10], $0x2000  }
0x269: {  	[sflag:s10] =	ssyncset.done $0x0  }
0x26a: {  	[sflag:s10] =	ssyncadd.s32 $0xFFFFE000  }
0x26b: {  	[hbm4b:s4+s3] =	stream.linear.scatter [tilespmem:s13], [sflag:$0x2], $0x2000, $0x38;
	[tilespmem:$0x1FE88] =	vst v63  }
0x26c: {  	s15 =	sadd.s32 $0x1, s15;
	_ =	swait.ge [sflag:s10], $0x2000  }
0x26d: {  	p1 =	sne.s32 s15, s7;
	[sflag:s10] =	ssyncset.done $0x0  }
.Ltmp5:
0x26e: {  	[sflag:s10] =	ssyncadd.s32 $0xFFFFE000;
	(pc) =	sbr.rel @p1 .LBB2_1-.Ltmp5, $4  }
0x26f: {  	[hbm4b:s6+s3] =	stream.linear.scatter [tilespmem:s14], [sflag:$0x2], $0x2000, $0x38;
	[tilespmem:$0x1FE88] =	vst v63  }
0x270: {  	_ =	swait.ge [sflag:s10], $0x2000  }
0x271: {  	[sflag:s10] =	ssyncset.done $0x0  }
0x272: {  	[sflag:s10] =	ssyncadd.s32 $0xFFFFE000  }
0x273: {  	_ =	sfence.sel $0x180000  }
0x274: {  	[bflag:$0x0] =	sbarrier.arrive $0xFFFF  }
0x275: {  	_ =	strace $0x90000047  }
0x276: {  	s0 =	sadd.s32 @!p0 $0x100000, s0;
	[bflag:$0x2] =	sbarrier.arrive $0xFFFF  }
0x277: {  	[sflag:s0] =	ssyncadd.tile.s32 @!p0 $0x1;
	_ =	shalt  }
.Lfunc_end2:
_tile_overlayer_lowered:
.L_overlay_start_2:
0x278: {  	(tag) =	ssettag $0x2  }
0x279: {  	s0 =	rddreg [dreg:$0x0];
	s2 =	stileid.u32  }
0x27a: {  	s1 =	rddreg [dreg:$0x1];
	p0 =	sne.s32 s2, $0x0  }
0x27b: {  	s3 =	rddreg [dreg:$0x2];
	[bflag:$0x3] =	sbarrier.arrive $0xFFFF;
	s2 =	simm.s32 @!p0 $0x1C02  }
0x27c: {  	[timem:s3], [sflag:s2] =	dma.local @!p0 [hbm:s0], s1  }
0x27d: {  	s0 =	simm.s32 @!p0 $0x2  }
0x27e: {  	_ =	swait.ge @!p0 [sflag:s0], s1  }
0x27f: {  	s1 =	ssub.s32 @!p0 $0x0, s1;
	[sflag:s0] =	ssyncset.done @!p0 $0x0  }
0x280: {  	[sflag:s0] =	ssyncadd.s32 @!p0 s1  }
0x281: {  	[bflag:$0x3] =	sbarrier.arrive $0xFFFF  }
0x282: {  	_ =	shalt  }

</sc_bundles>
